<compile_context>
chip_gen: v7x
topology: tpu7x:2x2x1
jax: 0.10.2.dev20260603
libtpu: 0.0.44.dev20260713+nightly
codegen_flags: <defaults>
</compile_context>

<pallas_src>
import functools

import jax
import jax.numpy as jnp
from jax import lax
from jax.experimental import pallas as pl
from jax.experimental.pallas import tpu as pltpu
from jax.experimental.pallas import tpu_sc as plsc

_LANES = 16


def _bias_kernel(B, H, M, NB):
    NW = 32
    total = B * M
    per_w = total // NW
    CH = 2048
    n_chunks = per_w // CH
    per_b_workers = NW // B

    mesh = plsc.VectorSubcoreMesh(core_axis_name="c", subcore_axis_name="s")

    @functools.partial(
        pl.kernel,
        out_type=jax.ShapeDtypeStruct((B, H, M), jnp.float32),
        mesh=mesh,
        compiler_params=pltpu.CompilerParams(needs_layout_passes=False),
        scratch_types=[
            pltpu.VMEM((NB * H,), jnp.float32),
            pltpu.VMEM((CH,), jnp.int32),
            pltpu.VMEM((H, CH), jnp.float32),
            pltpu.SemaphoreType.DMA,
        ],
    )
    def run(bkt_hbm, w_hbm, out_hbm, w_v, idx_v, out_v, sem):
        wid = lax.axis_index("s") * 2 + lax.axis_index("c")
        b = wid // per_b_workers
        m_base = (wid % per_b_workers) * per_w

        pltpu.sync_copy(w_hbm, w_v)

        def chunk_body(c, carry):
            m0 = m_base + c * CH
            pltpu.sync_copy(bkt_hbm.at[b, pl.ds(m0, CH)], idx_v)

            def gather_body(i, carry2):
                idx16 = idx_v[pl.ds(i * _LANES, _LANES)] << 4
                for h in range(H):
                    out_v[h, pl.ds(i * _LANES, _LANES)] = plsc.load_gather(
                        w_v, [idx16 + h]
                    )
                return carry2

            lax.fori_loop(0, CH // _LANES, gather_body, 0, unroll=2)
            pltpu.sync_copy(out_v, out_hbm.at[b, :, pl.ds(m0, CH)])
            return carry

        lax.fori_loop(0, n_chunks, chunk_body, 0)

    return run


def kernel(bucket_matrix, W):
    B, Q, K = bucket_matrix.shape
    NB, H = W.shape
    M = Q * K
    run = _bias_kernel(B, H, M, NB)
    out = run(bucket_matrix.reshape(B, M), W.reshape(-1))
    return out.reshape(B, H, Q, K)

# --- scband reference (transcript-rebuilt; emitter-appended) ---
"""Pipeline reference for scband-matrix-based-attention-bias-60172491817563 (READ-ONLY COPY).

The authoritative reference and input builder live on the scoring server;
editing this copy changes nothing except your own understanding.
"""

import jax, jax.numpy as jnp
import numpy as np

NUM_HEADS = 16
NUM_BUCKETS = 32
B, Q, K = 2, 2048, 2048


def setup_inputs(seed: int = 0) -> dict:
    key = jax.random.key(seed)
    k1, k2 = jax.random.split(key)
    bucket_matrix = jax.random.randint(k1, (B, Q, K), 0, NUM_BUCKETS, dtype=jnp.int32)
    # learned parameter: relative_attention_bias embedding table [num_buckets, num_heads]
    W = jax.random.normal(k2, (NUM_BUCKETS, NUM_HEADS), dtype=jnp.float32) * 0.02
    return {"bucket_matrix": bucket_matrix, "W": W}


def reference(bucket_matrix, W):
    # values = Embedding(bucket_matrix): gather rows of W -> [B, Q, K, H]
    values = jnp.take(W, bucket_matrix, axis=0)
    # permute([0, 3, 1, 2]) -> [B, H, Q, K]
    values = jnp.transpose(values, (0, 3, 1, 2))
    return values

if __name__ == "__main__":
    import jax
    _d = setup_inputs()
    print(jax.jit(kernel)(*tuple(_d.values())))

</pallas_src>

<mosaic_0001>
#map = affine_map<(d0, d1) -> (0, 0)>
#map1 = affine_map<(d0, d1) -> (0)>
#map2 = affine_map<(d0, d1) -> (0, 0, 0)>
module attributes {stable_mosaic.version = 14 : i64} {
  func.func @run(%arg0: i32, %arg1: i32, %arg2: memref<2x4194304xi32, #tpu.memory_space<hbm>>, %arg3: memref<512xf32, #tpu.memory_space<hbm>>, %arg4: memref<2x16x4194304xf32, #tpu.memory_space<hbm>>, %arg5: memref<512xf32, #tpu.memory_space<vmem>>, %arg6: memref<2048xi32, #tpu.memory_space<vmem>>, %arg7: memref<16x2048xf32, #tpu.memory_space<vmem>>, %arg8: memref<!tpu.dma_semaphore, #tpu.memory_space<semaphore_mem>>) attributes {dimension_semantics = [#tpu.dimension_semantics<core_parallel>, #tpu.dimension_semantics<subcore_parallel>], iteration_bounds = array<i64: 2, 16>, scalar_prefetch = 0 : i64, scratch_operands = 4 : i64, tpu.core_type = #tpu.core_type<sc_vector_subcore>, window_params = [{transform_indices = #map}, {transform_indices = #map1}, {transform_indices = #map2}]} {
    %mul3A = arith.constant 2 : i32
    %mul3A_0 = arith.muli %arg1, %mul3A : i32
    %add3A = arith.addi %mul3A_0, %arg0 : i32
    %jit3A = arith.constant 16 : i32
    %div3A = arith.divsi %add3A, %jit3A : i32
    %sign3A = arith.constant 0 : i32
    %sign3A_1 = arith.cmpi sgt, %add3A, %sign3A : i32
    %sign3A_2 = arith.extui %sign3A_1 : i1 to i32
    %sign3A_3 = arith.constant 0 : i32
    %sign3A_4 = arith.cmpi slt, %add3A, %sign3A_3 : i32
    %sign3A_5 = arith.extui %sign3A_4 : i1 to i32
    %sign3A_6 = arith.subi %sign3A_2, %sign3A_5 : i32
    %sign3A_7 = arith.constant 0 : i32
    %sign3A_8 = arith.cmpi sgt, %jit3A, %sign3A_7 : i32
    %sign3A_9 = arith.extui %sign3A_8 : i1 to i32
    %sign3A_10 = arith.constant 0 : i32
    %sign3A_11 = arith.cmpi slt, %jit3A, %sign3A_10 : i32
    %sign3A_12 = arith.extui %sign3A_11 : i1 to i32
    %sign3A_13 = arith.subi %sign3A_9, %sign3A_12 : i32
    %ne3A = arith.cmpi ne, %sign3A_6, %sign3A_13 : i32
    %rem3A = arith.remsi %add3A, %jit3A : i32
    %ne3A_14 = arith.constant 0 : i32
    %ne3A_15 = arith.cmpi ne, %rem3A, %ne3A_14 : i32
    %and3A = arith.andi %ne3A, %ne3A_15 : i1
    %sub3A = arith.constant 1 : i32
    %sub3A_16 = arith.subi %div3A, %sub3A : i32
    %select_n3A = arith.select %and3A, %sub3A_16, %div3A : i32
    %jit3A_17 = arith.constant 16 : i32
    %eq3A = arith.constant 0 : i32
    %eq3A_18 = arith.cmpi eq, %jit3A_17, %eq3A : i32
    %jit3A_19 = arith.constant 1 : i32
    %select_n3A_20 = arith.select %eq3A_18, %jit3A_19, %jit3A_17 : i32
    %rem3A_21 = arith.remsi %add3A, %select_n3A_20 : i32
    %ne3A_22 = arith.constant 0 : i32
    %ne3A_23 = arith.cmpi ne, %rem3A_21, %ne3A_22 : i32
    %lt3A = arith.constant 0 : i32
    %lt3A_24 = arith.cmpi slt, %rem3A_21, %lt3A : i32
    %lt3A_25 = arith.constant 0 : i32
    %lt3A_26 = arith.cmpi slt, %select_n3A_20, %lt3A_25 : i32
    %ne3A_27 = arith.xori %lt3A_24, %lt3A_26 : i1
    %and3A_28 = arith.andi %ne3A_27, %ne3A_23 : i1
    %add3A_29 = arith.addi %rem3A_21, %select_n3A_20 : i32
    %select_n3A_30 = arith.select %and3A_28, %add3A_29, %rem3A_21 : i32
    %mul3A_31 = arith.constant 262144 : i32
    %mul3A_32 = arith.muli %select_n3A_30, %mul3A_31 : i32
    "tpu.region"() ({
      %run_scoped3A = tpu.sem_alloc : memref<!tpu.dma_semaphore, #tpu.memory_space<semaphore_mem>>
      tpu.enqueue_dma source(%arg3 : memref<512xf32, #tpu.memory_space<hbm>>) target(%arg5 : memref<512xf32, #tpu.memory_space<vmem>>) target_semaphore(%run_scoped3A : memref<!tpu.dma_semaphore, #tpu.memory_space<semaphore_mem>>)
      tpu.wait_dma2 semaphore(%run_scoped3A : memref<!tpu.dma_semaphore, #tpu.memory_space<semaphore_mem>>) src(%arg3 : memref<512xf32, #tpu.memory_space<hbm>>) dst(%arg5 : memref<512xf32, #tpu.memory_space<vmem>>)
      tpu.yield
    }) : () -> ()
    %scan3A = arith.constant 0 : i32
    %scan3A_33 = arith.constant 0 : i32
    %scan3A_34 = arith.constant 128 : i32
    %scan3A_35 = arith.addi %scan3A_33, %scan3A_34 : i32
    %scan3A_36 = arith.constant 1 : i32
    scf.for %scan3A_38 = %scan3A_33 to %scan3A_35 step %scan3A_36  : i32 {
      %mul3A_39 = arith.constant 2048 : i32
      %mul3A_40 = arith.muli %scan3A_38, %mul3A_39 : i32
      %add3A_41 = arith.addi %mul3A_32, %mul3A_40 : i32
      "tpu.region"() ({
        %run_scoped3A = tpu.sem_alloc : memref<!tpu.dma_semaphore, #tpu.memory_space<semaphore_mem>>
        %dma_start3A = tpu.memref_slice %arg2[%select_n3A, %add3A_41] : memref<2x4194304xi32, #tpu.memory_space<hbm>> -> memref<1x2048xi32, #tpu.memory_space<hbm>>
        %dma_start3A_48 = tpu.memref_squeeze %dma_start3A : memref<1x2048xi32, #tpu.memory_space<hbm>> -> memref<2048xi32, #tpu.memory_space<hbm>>
        %dma_start3A_49 = tpu.memref_slice %arg2[%select_n3A, %add3A_41] : memref<2x4194304xi32, #tpu.memory_space<hbm>> -> memref<1x2048xi32, #tpu.memory_space<hbm>>
        %dma_start3A_50 = tpu.memref_squeeze %dma_start3A_49 : memref<1x2048xi32, #tpu.memory_space<hbm>> -> memref<2048xi32, #tpu.memory_space<hbm>>
        tpu.enqueue_dma source(%dma_start3A_50 : memref<2048xi32, #tpu.memory_space<hbm>>) target(%arg6 : memref<2048xi32, #tpu.memory_space<vmem>>) target_semaphore(%run_scoped3A : memref<!tpu.dma_semaphore, #tpu.memory_space<semaphore_mem>>)
        %dma_wait3A = tpu.memref_slice %arg2[%select_n3A, %add3A_41] : memref<2x4194304xi32, #tpu.memory_space<hbm>> -> memref<1x2048xi32, #tpu.memory_space<hbm>>
        %dma_wait3A_51 = tpu.memref_squeeze %dma_wait3A : memref<1x2048xi32, #tpu.memory_space<hbm>> -> memref<2048xi32, #tpu.memory_space<hbm>>
        %dma_wait3A_52 = tpu.memref_slice %arg2[%select_n3A, %add3A_41] : memref<2x4194304xi32, #tpu.memory_space<hbm>> -> memref<1x2048xi32, #tpu.memory_space<hbm>>
        %dma_wait3A_53 = tpu.memref_squeeze %dma_wait3A_52 : memref<1x2048xi32, #tpu.memory_space<hbm>> -> memref<2048xi32, #tpu.memory_space<hbm>>
        tpu.wait_dma2 semaphore(%run_scoped3A : memref<!tpu.dma_semaphore, #tpu.memory_space<semaphore_mem>>) src(%dma_wait3A_53 : memref<2048xi32, #tpu.memory_space<hbm>>) dst(%arg6 : memref<2048xi32, #tpu.memory_space<vmem>>)
        tpu.yield
      }) : () -> ()
      %scan3A_42 = arith.constant 0 : i32
      %scan3A_43 = arith.constant 0 : i32
      %scan3A_44 = arith.constant 128 : i32
      %scan3A_45 = arith.addi %scan3A_43, %scan3A_44 : i32
      %scan3A_46 = arith.constant 2 : i32
      scf.for %scan3A_48 = %scan3A_43 to %scan3A_45 step %scan3A_46  : i32 {
        %mul3A_49 = arith.constant 16 : i32
        %mul3A_50 = arith.muli %scan3A_48, %mul3A_49 : i32
        %get3A = arith.index_cast %mul3A_50 : i32 to index
        %get3A_51 = tpu.vector_load %arg6[%get3A] {strides = array<i32>} : memref<2048xi32, #tpu.memory_space<vmem>>, vector<16xi32>,
        %shift_left3A = arith.constant 4 : i32
        %shift_left3A_52 = vector.broadcast %shift_left3A : i32 to vector<16xi32>
        %shift_left3A_53 = arith.shli %get3A_51, %shift_left3A_52 : vector<16xi32>
        %add3A_54 = arith.constant 0 : i32
        %add3A_55 = vector.broadcast %add3A_54 : i32 to vector<16xi32>
        %add3A_56 = arith.addi %shift_left3A_53, %add3A_55 : vector<16xi32>
        %gather3A = tpu.vector_load_idx %arg5[%add3A_56] : memref<512xf32, #tpu.memory_space<vmem>>[vector<16xi32>], vector<16xf32>,
        %mul3A_57 = arith.constant 16 : i32
        %mul3A_58 = arith.muli %scan3A_48, %mul3A_57 : i32
        %swap3A = arith.constant 0 : i32
        %swap3A_59 = arith.index_cast %swap3A : i32 to index
        %swap3A_60 = arith.index_cast %mul3A_58 : i32 to index
        %swap3A_61 = tpu.vector_load %arg7[%swap3A_59, %swap3A_60] {strides = array<i32>} : memref<16x2048xf32, #tpu.memory_space<vmem>>, vector<16xf32>,
        tpu.vector_store %arg7[%swap3A_59, %swap3A_60], %gather3A {strides = array<i32>} : memref<16x2048xf32, #tpu.memory_space<vmem>>, vector<16xf32>,
        %add3A_62 = arith.constant 1 : i32
        %add3A_63 = vector.broadcast %add3A_62 : i32 to vector<16xi32>
        %add3A_64 = arith.addi %shift_left3A_53, %add3A_63 : vector<16xi32>
        %gather3A_65 = tpu.vector_load_idx %arg5[%add3A_64] : memref<512xf32, #tpu.memory_space<vmem>>[vector<16xi32>], vector<16xf32>,
        %mul3A_66 = arith.constant 16 : i32
        %mul3A_67 = arith.muli %scan3A_48, %mul3A_66 : i32
        %swap3A_68 = arith.constant 1 : i32
        %swap3A_69 = arith.index_cast %swap3A_68 : i32 to index
        %swap3A_70 = arith.index_cast %mul3A_67 : i32 to index
        %swap3A_71 = tpu.vector_load %arg7[%swap3A_69, %swap3A_70] {strides = array<i32>} : memref<16x2048xf32, #tpu.memory_space<vmem>>, vector<16xf32>,
        tpu.vector_store %arg7[%swap3A_69, %swap3A_70], %gather3A_65 {strides = array<i32>} : memref<16x2048xf32, #tpu.memory_space<vmem>>, vector<16xf32>,
        %add3A_72 = arith.constant 2 : i32
        %add3A_73 = vector.broadcast %add3A_72 : i32 to vector<16xi32>
        %add3A_74 = arith.addi %shift_left3A_53, %add3A_73 : vector<16xi32>
        %gather3A_75 = tpu.vector_load_idx %arg5[%add3A_74] : memref<512xf32, #tpu.memory_space<vmem>>[vector<16xi32>], vector<16xf32>,
        %mul3A_76 = arith.constant 16 : i32
        %mul3A_77 = arith.muli %scan3A_48, %mul3A_76 : i32
        %swap3A_78 = arith.constant 2 : i32
        %swap3A_79 = arith.index_cast %swap3A_78 : i32 to index
        %swap3A_80 = arith.index_cast %mul3A_77 : i32 to index
        %swap3A_81 = tpu.vector_load %arg7[%swap3A_79, %swap3A_80] {strides = array<i32>} : memref<16x2048xf32, #tpu.memory_space<vmem>>, vector<16xf32>,
        tpu.vector_store %arg7[%swap3A_79, %swap3A_80], %gather3A_75 {strides = array<i32>} : memref<16x2048xf32, #tpu.memory_space<vmem>>, vector<16xf32>,
        %add3A_82 = arith.constant 3 : i32
        %add3A_83 = vector.broadcast %add3A_82 : i32 to vector<16xi32>
        %add3A_84 = arith.addi %shift_left3A_53, %add3A_83 : vector<16xi32>
        %gather3A_85 = tpu.vector_load_idx %arg5[%add3A_84] : memref<512xf32, #tpu.memory_space<vmem>>[vector<16xi32>], vector<16xf32>,
        %mul3A_86 = arith.constant 16 : i32
        %mul3A_87 = arith.muli %scan3A_48, %mul3A_86 : i32
        %swap3A_88 = arith.constant 3 : i32
        %swap3A_89 = arith.index_cast %swap3A_88 : i32 to index
        %swap3A_90 = arith.index_cast %mul3A_87 : i32 to index
        %swap3A_91 = tpu.vector_load %arg7[%swap3A_89, %swap3A_90] {strides = array<i32>} : memref<16x2048xf32, #tpu.memory_space<vmem>>, vector<16xf32>,
        tpu.vector_store %arg7[%swap3A_89, %swap3A_90], %gather3A_85 {strides = array<i32>} : memref<16x2048xf32, #tpu.memory_space<vmem>>, vector<16xf32>,
        %add3A_92 = arith.constant 4 : i32
        %add3A_93 = vector.broadcast %add3A_92 : i32 to vector<16xi32>
        %add3A_94 = arith.addi %shift_left3A_53, %add3A_93 : vector<16xi32>
        %gather3A_95 = tpu.vector_load_idx %arg5[%add3A_94] : memref<512xf32, #tpu.memory_space<vmem>>[vector<16xi32>], vector<16xf32>,
        %mul3A_96 = arith.constant 16 : i32
        %mul3A_97 = arith.muli %scan3A_48, %mul3A_96 : i32
        %swap3A_98 = arith.constant 4 : i32
        %swap3A_99 = arith.index_cast %swap3A_98 : i32 to index
        %swap3A_100 = arith.index_cast %mul3A_97 : i32 to index
        %swap3A_101 = tpu.vector_load %arg7[%swap3A_99, %swap3A_100] {strides = array<i32>} : memref<16x2048xf32, #tpu.memory_space<vmem>>, vector<16xf32>,
        tpu.vector_store %arg7[%swap3A_99, %swap3A_100], %gather3A_95 {strides = array<i32>} : memref<16x2048xf32, #tpu.memory_space<vmem>>, vector<16xf32>,
        %add3A_102 = arith.constant 5 : i32
        %add3A_103 = vector.broadcast %add3A_102 : i32 to vector<16xi32>
        %add3A_104 = arith.addi %shift_left3A_53, %add3A_103 : vector<16xi32>
        %gather3A_105 = tpu.vector_load_idx %arg5[%add3A_104] : memref<512xf32, #tpu.memory_space<vmem>>[vector<16xi32>], vector<16xf32>,
        %mul3A_106 = arith.constant 16 : i32
        %mul3A_107 = arith.muli %scan3A_48, %mul3A_106 : i32
        %swap3A_108 = arith.constant 5 : i32
        %swap3A_109 = arith.index_cast %swap3A_108 : i32 to index
        %swap3A_110 = arith.index_cast %mul3A_107 : i32 to index
        %swap3A_111 = tpu.vector_load %arg7[%swap3A_109, %swap3A_110] {strides = array<i32>} : memref<16x2048xf32, #tpu.memory_space<vmem>>, vector<16xf32>,
        tpu.vector_store %arg7[%swap3A_109, %swap3A_110], %gather3A_105 {strides = array<i32>} : memref<16x2048xf32, #tpu.memory_space<vmem>>, vector<16xf32>,
        %add3A_112 = arith.constant 6 : i32
        %add3A_113 = vector.broadcast %add3A_112 : i32 to vector<16xi32>
        %add3A_114 = arith.addi %shift_left3A_53, %add3A_113 : vector<16xi32>
        %gather3A_115 = tpu.vector_load_idx %arg5[%add3A_114] : memref<512xf32, #tpu.memory_space<vmem>>[vector<16xi32>], vector<16xf32>,
        %mul3A_116 = arith.constant 16 : i32
        %mul3A_117 = arith.muli %scan3A_48, %mul3A_116 : i32
        %swap3A_118 = arith.constant 6 : i32
        %swap3A_119 = arith.index_cast %swap3A_118 : i32 to index
        %swap3A_120 = arith.index_cast %mul3A_117 : i32 to index
        %swap3A_121 = tpu.vector_load %arg7[%swap3A_119, %swap3A_120] {strides = array<i32>} : memref<16x2048xf32, #tpu.memory_space<vmem>>, vector<16xf32>,
        tpu.vector_store %arg7[%swap3A_119, %swap3A_120], %gather3A_115 {strides = array<i32>} : memref<16x2048xf32, #tpu.memory_space<vmem>>, vector<16xf32>,
        %add3A_122 = arith.constant 7 : i32
        %add3A_123 = vector.broadcast %add3A_122 : i32 to vector<16xi32>
        %add3A_124 = arith.addi %shift_left3A_53, %add3A_123 : vector<16xi32>
        %gather3A_125 = tpu.vector_load_idx %arg5[%add3A_124] : memref<512xf32, #tpu.memory_space<vmem>>[vector<16xi32>], vector<16xf32>,
        %mul3A_126 = arith.constant 16 : i32
        %mul3A_127 = arith.muli %scan3A_48, %mul3A_126 : i32
        %swap3A_128 = arith.constant 7 : i32
        %swap3A_129 = arith.index_cast %swap3A_128 : i32 to index
        %swap3A_130 = arith.index_cast %mul3A_127 : i32 to index
        %swap3A_131 = tpu.vector_load %arg7[%swap3A_129, %swap3A_130] {strides = array<i32>} : memref<16x2048xf32, #tpu.memory_space<vmem>>, vector<16xf32>,
        tpu.vector_store %arg7[%swap3A_129, %swap3A_130], %gather3A_125 {strides = array<i32>} : memref<16x2048xf32, #tpu.memory_space<vmem>>, vector<16xf32>,
        %add3A_132 = arith.constant 8 : i32
        %add3A_133 = vector.broadcast %add3A_132 : i32 to vector<16xi32>
        %add3A_134 = arith.addi %shift_left3A_53, %add3A_133 : vector<16xi32>
        %gather3A_135 = tpu.vector_load_idx %arg5[%add3A_134] : memref<512xf32, #tpu.memory_space<vmem>>[vector<16xi32>], vector<16xf32>,
        %mul3A_136 = arith.constant 16 : i32
        %mul3A_137 = arith.muli %scan3A_48, %mul3A_136 : i32
        %swap3A_138 = arith.constant 8 : i32
        %swap3A_139 = arith.index_cast %swap3A_138 : i32 to index
        %swap3A_140 = arith.index_cast %mul3A_137 : i32 to index
        %swap3A_141 = tpu.vector_load %arg7[%swap3A_139, %swap3A_140] {strides = array<i32>} : memref<16x2048xf32, #tpu.memory_space<vmem>>, vector<16xf32>,
        tpu.vector_store %arg7[%swap3A_139, %swap3A_140], %gather3A_135 {strides = array<i32>} : memref<16x2048xf32, #tpu.memory_space<vmem>>, vector<16xf32>,
        %add3A_142 = arith.constant 9 : i32
        %add3A_143 = vector.broadcast %add3A_142 : i32 to vector<16xi32>
        %add3A_144 = arith.addi %shift_left3A_53, %add3A_143 : vector<16xi32>
        %gather3A_145 = tpu.vector_load_idx %arg5[%add3A_144] : memref<512xf32, #tpu.memory_space<vmem>>[vector<16xi32>], vector<16xf32>,
        %mul3A_146 = arith.constant 16 : i32
        %mul3A_147 = arith.muli %scan3A_48, %mul3A_146 : i32
        %swap3A_148 = arith.constant 9 : i32
        %swap3A_149 = arith.index_cast %swap3A_148 : i32 to index
        %swap3A_150 = arith.index_cast %mul3A_147 : i32 to index
        %swap3A_151 = tpu.vector_load %arg7[%swap3A_149, %swap3A_150] {strides = array<i32>} : memref<16x2048xf32, #tpu.memory_space<vmem>>, vector<16xf32>,
        tpu.vector_store %arg7[%swap3A_149, %swap3A_150], %gather3A_145 {strides = array<i32>} : memref<16x2048xf32, #tpu.memory_space<vmem>>, vector<16xf32>,
        %add3A_152 = arith.constant 10 : i32
        %add3A_153 = vector.broadcast %add3A_152 : i32 to vector<16xi32>
        %add3A_154 = arith.addi %shift_left3A_53, %add3A_153 : vector<16xi32>
        %gather3A_155 = tpu.vector_load_idx %arg5[%add3A_154] : memref<512xf32, #tpu.memory_space<vmem>>[vector<16xi32>], vector<16xf32>,
        %mul3A_156 = arith.constant 16 : i32
        %mul3A_157 = arith.muli %scan3A_48, %mul3A_156 : i32
        %swap3A_158 = arith.constant 10 : i32
        %swap3A_159 = arith.index_cast %swap3A_158 : i32 to index
        %swap3A_160 = arith.index_cast %mul3A_157 : i32 to index
        %swap3A_161 = tpu.vector_load %arg7[%swap3A_159, %swap3A_160] {strides = array<i32>} : memref<16x2048xf32, #tpu.memory_space<vmem>>, vector<16xf32>,
        tpu.vector_store %arg7[%swap3A_159, %swap3A_160], %gather3A_155 {strides = array<i32>} : memref<16x2048xf32, #tpu.memory_space<vmem>>, vector<16xf32>,
        %add3A_162 = arith.constant 11 : i32
        %add3A_163 = vector.broadcast %add3A_162 : i32 to vector<16xi32>
        %add3A_164 = arith.addi %shift_left3A_53, %add3A_163 : vector<16xi32>
        %gather3A_165 = tpu.vector_load_idx %arg5[%add3A_164] : memref<512xf32, #tpu.memory_space<vmem>>[vector<16xi32>], vector<16xf32>,
        %mul3A_166 = arith.constant 16 : i32
        %mul3A_167 = arith.muli %scan3A_48, %mul3A_166 : i32
        %swap3A_168 = arith.constant 11 : i32
        %swap3A_169 = arith.index_cast %swap3A_168 : i32 to index
        %swap3A_170 = arith.index_cast %mul3A_167 : i32 to index
        %swap3A_171 = tpu.vector_load %arg7[%swap3A_169, %swap3A_170] {strides = array<i32>} : memref<16x2048xf32, #tpu.memory_space<vmem>>, vector<16xf32>,
        tpu.vector_store %arg7[%swap3A_169, %swap3A_170], %gather3A_165 {strides = array<i32>} : memref<16x2048xf32, #tpu.memory_space<vmem>>, vector<16xf32>,
        %add3A_172 = arith.constant 12 : i32
        %add3A_173 = vector.broadcast %add3A_172 : i32 to vector<16xi32>
        %add3A_174 = arith.addi %shift_left3A_53, %add3A_173 : vector<16xi32>
        %gather3A_175 = tpu.vector_load_idx %arg5[%add3A_174] : memref<512xf32, #tpu.memory_space<vmem>>[vector<16xi32>], vector<16xf32>,
        %mul3A_176 = arith.constant 16 : i32
        %mul3A_177 = arith.muli %scan3A_48, %mul3A_176 : i32
        %swap3A_178 = arith.constant 12 : i32
        %swap3A_179 = arith.index_cast %swap3A_178 : i32 to index
        %swap3A_180 = arith.index_cast %mul3A_177 : i32 to index
        %swap3A_181 = tpu.vector_load %arg7[%swap3A_179, %swap3A_180] {strides = array<i32>} : memref<16x2048xf32, #tpu.memory_space<vmem>>, vector<16xf32>,
        tpu.vector_store %arg7[%swap3A_179, %swap3A_180], %gather3A_175 {strides = array<i32>} : memref<16x2048xf32, #tpu.memory_space<vmem>>, vector<16xf32>,
        %add3A_182 = arith.constant 13 : i32
        %add3A_183 = vector.broadcast %add3A_182 : i32 to vector<16xi32>
        %add3A_184 = arith.addi %shift_left3A_53, %add3A_183 : vector<16xi32>
        %gather3A_185 = tpu.vector_load_idx %arg5[%add3A_184] : memref<512xf32, #tpu.memory_space<vmem>>[vector<16xi32>], vector<16xf32>,
        %mul3A_186 = arith.constant 16 : i32
        %mul3A_187 = arith.muli %scan3A_48, %mul3A_186 : i32
        %swap3A_188 = arith.constant 13 : i32
        %swap3A_189 = arith.index_cast %swap3A_188 : i32 to index
        %swap3A_190 = arith.index_cast %mul3A_187 : i32 to index
        %swap3A_191 = tpu.vector_load %arg7[%swap3A_189, %swap3A_190] {strides = array<i32>} : memref<16x2048xf32, #tpu.memory_space<vmem>>, vector<16xf32>,
        tpu.vector_store %arg7[%swap3A_189, %swap3A_190], %gather3A_185 {strides = array<i32>} : memref<16x2048xf32, #tpu.memory_space<vmem>>, vector<16xf32>,
        %add3A_192 = arith.constant 14 : i32
        %add3A_193 = vector.broadcast %add3A_192 : i32 to vector<16xi32>
        %add3A_194 = arith.addi %shift_left3A_53, %add3A_193 : vector<16xi32>
        %gather3A_195 = tpu.vector_load_idx %arg5[%add3A_194] : memref<512xf32, #tpu.memory_space<vmem>>[vector<16xi32>], vector<16xf32>,
        %mul3A_196 = arith.constant 16 : i32
        %mul3A_197 = arith.muli %scan3A_48, %mul3A_196 : i32
        %swap3A_198 = arith.constant 14 : i32
        %swap3A_199 = arith.index_cast %swap3A_198 : i32 to index
        %swap3A_200 = arith.index_cast %mul3A_197 : i32 to index
        %swap3A_201 = tpu.vector_load %arg7[%swap3A_199, %swap3A_200] {strides = array<i32>} : memref<16x2048xf32, #tpu.memory_space<vmem>>, vector<16xf32>,
        tpu.vector_store %arg7[%swap3A_199, %swap3A_200], %gather3A_195 {strides = array<i32>} : memref<16x2048xf32, #tpu.memory_space<vmem>>, vector<16xf32>,
        %add3A_202 = arith.constant 15 : i32
        %add3A_203 = vector.broadcast %add3A_202 : i32 to vector<16xi32>
        %add3A_204 = arith.addi %shift_left3A_53, %add3A_203 : vector<16xi32>
        %gather3A_205 = tpu.vector_load_idx %arg5[%add3A_204] : memref<512xf32, #tpu.memory_space<vmem>>[vector<16xi32>], vector<16xf32>,
        %mul3A_206 = arith.constant 16 : i32
        %mul3A_207 = arith.muli %scan3A_48, %mul3A_206 : i32
        %swap3A_208 = arith.constant 15 : i32
        %swap3A_209 = arith.index_cast %swap3A_208 : i32 to index
        %swap3A_210 = arith.index_cast %mul3A_207 : i32 to index
        %swap3A_211 = tpu.vector_load %arg7[%swap3A_209, %swap3A_210] {strides = array<i32>} : memref<16x2048xf32, #tpu.memory_space<vmem>>, vector<16xf32>,
        tpu.vector_store %arg7[%swap3A_209, %swap3A_210], %gather3A_205 {strides = array<i32>} : memref<16x2048xf32, #tpu.memory_space<vmem>>, vector<16xf32>,
        %scan3A_212 = arith.constant 1 : i32
        %scan3A_213 = arith.addi %scan3A_48, %scan3A_212 : i32
        %mul3A_214 = arith.constant 16 : i32
        %mul3A_215 = arith.muli %scan3A_213, %mul3A_214 : i32
        %get3A_216 = arith.index_cast %mul3A_215 : i32 to index
        %get3A_217 = tpu.vector_load %arg6[%get3A_216] {strides = array<i32>} : memref<2048xi32, #tpu.memory_space<vmem>>, vector<16xi32>,
        %shift_left3A_218 = arith.constant 4 : i32
        %shift_left3A_219 = vector.broadcast %shift_left3A_218 : i32 to vector<16xi32>
        %shift_left3A_220 = arith.shli %get3A_217, %shift_left3A_219 : vector<16xi32>
        %add3A_221 = arith.constant 0 : i32
        %add3A_222 = vector.broadcast %add3A_221 : i32 to vector<16xi32>
        %add3A_223 = arith.addi %shift_left3A_220, %add3A_222 : vector<16xi32>
        %gather3A_224 = tpu.vector_load_idx %arg5[%add3A_223] : memref<512xf32, #tpu.memory_space<vmem>>[vector<16xi32>], vector<16xf32>,
        %mul3A_225 = arith.constant 16 : i32
        %mul3A_226 = arith.muli %scan3A_213, %mul3A_225 : i32
        %swap3A_227 = arith.constant 0 : i32
        %swap3A_228 = arith.index_cast %swap3A_227 : i32 to index
        %swap3A_229 = arith.index_cast %mul3A_226 : i32 to index
        %swap3A_230 = tpu.vector_load %arg7[%swap3A_228, %swap3A_229] {strides = array<i32>} : memref<16x2048xf32, #tpu.memory_space<vmem>>, vector<16xf32>,
        tpu.vector_store %arg7[%swap3A_228, %swap3A_229], %gather3A_224 {strides = array<i32>} : memref<16x2048xf32, #tpu.memory_space<vmem>>, vector<16xf32>,
        %add3A_231 = arith.constant 1 : i32
        %add3A_232 = vector.broadcast %add3A_231 : i32 to vector<16xi32>
        %add3A_233 = arith.addi %shift_left3A_220, %add3A_232 : vector<16xi32>
        %gather3A_234 = tpu.vector_load_idx %arg5[%add3A_233] : memref<512xf32, #tpu.memory_space<vmem>>[vector<16xi32>], vector<16xf32>,
        %mul3A_235 = arith.constant 16 : i32
        %mul3A_236 = arith.muli %scan3A_213, %mul3A_235 : i32
        %swap3A_237 = arith.constant 1 : i32
        %swap3A_238 = arith.index_cast %swap3A_237 : i32 to index
        %swap3A_239 = arith.index_cast %mul3A_236 : i32 to index
        %swap3A_240 = tpu.vector_load %arg7[%swap3A_238, %swap3A_239] {strides = array<i32>} : memref<16x2048xf32, #tpu.memory_space<vmem>>, vector<16xf32>,
        tpu.vector_store %arg7[%swap3A_238, %swap3A_239], %gather3A_234 {strides = array<i32>} : memref<16x2048xf32, #tpu.memory_space<vmem>>, vector<16xf32>,
        %add3A_241 = arith.constant 2 : i32
        %add3A_242 = vector.broadcast %add3A_241 : i32 to vector<16xi32>
        %add3A_243 = arith.addi %shift_left3A_220, %add3A_242 : vector<16xi32>
        %gather3A_244 = tpu.vector_load_idx %arg5[%add3A_243] : memref<512xf32, #tpu.memory_space<vmem>>[vector<16xi32>], vector<16xf32>,
        %mul3A_245 = arith.constant 16 : i32
        %mul3A_246 = arith.muli %scan3A_213, %mul3A_245 : i32
        %swap3A_247 = arith.constant 2 : i32
        %swap3A_248 = arith.index_cast %swap3A_247 : i32 to index
        %swap3A_249 = arith.index_cast %mul3A_246 : i32 to index
        %swap3A_250 = tpu.vector_load %arg7[%swap3A_248, %swap3A_249] {strides = array<i32>} : memref<16x2048xf32, #tpu.memory_space<vmem>>, vector<16xf32>,
        tpu.vector_store %arg7[%swap3A_248, %swap3A_249], %gather3A_244 {strides = array<i32>} : memref<16x2048xf32, #tpu.memory_space<vmem>>, vector<16xf32>,
        %add3A_251 = arith.constant 3 : i32
        %add3A_252 = vector.broadcast %add3A_251 : i32 to vector<16xi32>
        %add3A_253 = arith.addi %shift_left3A_220, %add3A_252 : vector<16xi32>
        %gather3A_254 = tpu.vector_load_idx %arg5[%add3A_253] : memref<512xf32, #tpu.memory_space<vmem>>[vector<16xi32>], vector<16xf32>,
        %mul3A_255 = arith.constant 16 : i32
        %mul3A_256 = arith.muli %scan3A_213, %mul3A_255 : i32
        %swap3A_257 = arith.constant 3 : i32
        %swap3A_258 = arith.index_cast %swap3A_257 : i32 to index
        %swap3A_259 = arith.index_cast %mul3A_256 : i32 to index
        %swap3A_260 = tpu.vector_load %arg7[%swap3A_258, %swap3A_259] {strides = array<i32>} : memref<16x2048xf32, #tpu.memory_space<vmem>>, vector<16xf32>,
        tpu.vector_store %arg7[%swap3A_258, %swap3A_259], %gather3A_254 {strides = array<i32>} : memref<16x2048xf32, #tpu.memory_space<vmem>>, vector<16xf32>,
        %add3A_261 = arith.constant 4 : i32
        %add3A_262 = vector.broadcast %add3A_261 : i32 to vector<16xi32>
        %add3A_263 = arith.addi %shift_left3A_220, %add3A_262 : vector<16xi32>
        %gather3A_264 = tpu.vector_load_idx %arg5[%add3A_263] : memref<512xf32, #tpu.memory_space<vmem>>[vector<16xi32>], vector<16xf32>,
        %mul3A_265 = arith.constant 16 : i32
        %mul3A_266 = arith.muli %scan3A_213, %mul3A_265 : i32
        %swap3A_267 = arith.constant 4 : i32
        %swap3A_268 = arith.index_cast %swap3A_267 : i32 to index
        %swap3A_269 = arith.index_cast %mul3A_266 : i32 to index
        %swap3A_270 = tpu.vector_load %arg7[%swap3A_268, %swap3A_269] {strides = array<i32>} : memref<16x2048xf32, #tpu.memory_space<vmem>>, vector<16xf32>,
        tpu.vector_store %arg7[%swap3A_268, %swap3A_269], %gather3A_264 {strides = array<i32>} : memref<16x2048xf32, #tpu.memory_space<vmem>>, vector<16xf32>,
        %add3A_271 = arith.constant 5 : i32
        %add3A_272 = vector.broadcast %add3A_271 : i32 to vector<16xi32>
        %add3A_273 = arith.addi %shift_left3A_220, %add3A_272 : vector<16xi32>
        %gather3A_274 = tpu.vector_load_idx %arg5[%add3A_273] : memref<512xf32, #tpu.memory_space<vmem>>[vector<16xi32>], vector<16xf32>,
        %mul3A_275 = arith.constant 16 : i32
        %mul3A_276 = arith.muli %scan3A_213, %mul3A_275 : i32
        %swap3A_277 = arith.constant 5 : i32
        %swap3A_278 = arith.index_cast %swap3A_277 : i32 to index
        %swap3A_279 = arith.index_cast %mul3A_276 : i32 to index
        %swap3A_280 = tpu.vector_load %arg7[%swap3A_278, %swap3A_279] {strides = array<i32>} : memref<16x2048xf32, #tpu.memory_space<vmem>>, vector<16xf32>,
        tpu.vector_store %arg7[%swap3A_278, %swap3A_279], %gather3A_274 {strides = array<i32>} : memref<16x2048xf32, #tpu.memory_space<vmem>>, vector<16xf32>,
        %add3A_281 = arith.constant 6 : i32
        %add3A_282 = vector.broadcast %add3A_281 : i32 to vector<16xi32>
        %add3A_283 = arith.addi %shift_left3A_220, %add3A_282 : vector<16xi32>
        %gather3A_284 = tpu.vector_load_idx %arg5[%add3A_283] : memref<512xf32, #tpu.memory_space<vmem>>[vector<16xi32>], vector<16xf32>,
        %mul3A_285 = arith.constant 16 : i32
        %mul3A_286 = arith.muli %scan3A_213, %mul3A_285 : i32
        %swap3A_287 = arith.constant 6 : i32
        %swap3A_288 = arith.index_cast %swap3A_287 : i32 to index
        %swap3A_289 = arith.index_cast %mul3A_286 : i32 to index
        %swap3A_290 = tpu.vector_load %arg7[%swap3A_288, %swap3A_289] {strides = array<i32>} : memref<16x2048xf32, #tpu.memory_space<vmem>>, vector<16xf32>,
        tpu.vector_store %arg7[%swap3A_288, %swap3A_289], %gather3A_284 {strides = array<i32>} : memref<16x2048xf32, #tpu.memory_space<vmem>>, vector<16xf32>,
        %add3A_291 = arith.constant 7 : i32
        %add3A_292 = vector.broadcast %add3A_291 : i32 to vector<16xi32>
        %add3A_293 = arith.addi %shift_left3A_220, %add3A_292 : vector<16xi32>
        %gather3A_294 = tpu.vector_load_idx %arg5[%add3A_293] : memref<512xf32, #tpu.memory_space<vmem>>[vector<16xi32>], vector<16xf32>,
        %mul3A_295 = arith.constant 16 : i32
        %mul3A_296 = arith.muli %scan3A_213, %mul3A_295 : i32
        %swap3A_297 = arith.constant 7 : i32
        %swap3A_298 = arith.index_cast %swap3A_297 : i32 to index
        %swap3A_299 = arith.index_cast %mul3A_296 : i32 to index
        %swap3A_300 = tpu.vector_load %arg7[%swap3A_298, %swap3A_299] {strides = array<i32>} : memref<16x2048xf32, #tpu.memory_space<vmem>>, vector<16xf32>,
        tpu.vector_store %arg7[%swap3A_298, %swap3A_299], %gather3A_294 {strides = array<i32>} : memref<16x2048xf32, #tpu.memory_space<vmem>>, vector<16xf32>,
        %add3A_301 = arith.constant 8 : i32
        %add3A_302 = vector.broadcast %add3A_301 : i32 to vector<16xi32>
        %add3A_303 = arith.addi %shift_left3A_220, %add3A_302 : vector<16xi32>
        %gather3A_304 = tpu.vector_load_idx %arg5[%add3A_303] : memref<512xf32, #tpu.memory_space<vmem>>[vector<16xi32>], vector<16xf32>,
        %mul3A_305 = arith.constant 16 : i32
        %mul3A_306 = arith.muli %scan3A_213, %mul3A_305 : i32
        %swap3A_307 = arith.constant 8 : i32
        %swap3A_308 = arith.index_cast %swap3A_307 : i32 to index
        %swap3A_309 = arith.index_cast %mul3A_306 : i32 to index
        %swap3A_310 = tpu.vector_load %arg7[%swap3A_308, %swap3A_309] {strides = array<i32>} : memref<16x2048xf32, #tpu.memory_space<vmem>>, vector<16xf32>,
        tpu.vector_store %arg7[%swap3A_308, %swap3A_309], %gather3A_304 {strides = array<i32>} : memref<16x2048xf32, #tpu.memory_space<vmem>>, vector<16xf32>,
        %add3A_311 = arith.constant 9 : i32
        %add3A_312 = vector.broadcast %add3A_311 : i32 to vector<16xi32>
        %add3A_313 = arith.addi %shift_left3A_220, %add3A_312 : vector<16xi32>
        %gather3A_314 = tpu.vector_load_idx %arg5[%add3A_313] : memref<512xf32, #tpu.memory_space<vmem>>[vector<16xi32>], vector<16xf32>,
        %mul3A_315 = arith.constant 16 : i32
        %mul3A_316 = arith.muli %scan3A_213, %mul3A_315 : i32
        %swap3A_317 = arith.constant 9 : i32
        %swap3A_318 = arith.index_cast %swap3A_317 : i32 to index
        %swap3A_319 = arith.index_cast %mul3A_316 : i32 to index
        %swap3A_320 = tpu.vector_load %arg7[%swap3A_318, %swap3A_319] {strides = array<i32>} : memref<16x2048xf32, #tpu.memory_space<vmem>>, vector<16xf32>,
        tpu.vector_store %arg7[%swap3A_318, %swap3A_319], %gather3A_314 {strides = array<i32>} : memref<16x2048xf32, #tpu.memory_space<vmem>>, vector<16xf32>,
        %add3A_321 = arith.constant 10 : i32
        %add3A_322 = vector.broadcast %add3A_321 : i32 to vector<16xi32>
        %add3A_323 = arith.addi %shift_left3A_220, %add3A_322 : vector<16xi32>
        %gather3A_324 = tpu.vector_load_idx %arg5[%add3A_323] : memref<512xf32, #tpu.memory_space<vmem>>[vector<16xi32>], vector<16xf32>,
        %mul3A_325 = arith.constant 16 : i32
        %mul3A_326 = arith.muli %scan3A_213, %mul3A_325 : i32
        %swap3A_327 = arith.constant 10 : i32
        %swap3A_328 = arith.index_cast %swap3A_327 : i32 to index
        %swap3A_329 = arith.index_cast %mul3A_326 : i32 to index
        %swap3A_330 = tpu.vector_load %arg7[%swap3A_328, %swap3A_329] {strides = array<i32>} : memref<16x2048xf32, #tpu.memory_space<vmem>>, vector<16xf32>,
        tpu.vector_store %arg7[%swap3A_328, %swap3A_329], %gather3A_324 {strides = array<i32>} : memref<16x2048xf32, #tpu.memory_space<vmem>>, vector<16xf32>,
        %add3A_331 = arith.constant 11 : i32
        %add3A_332 = vector.broadcast %add3A_331 : i32 to vector<16xi32>
        %add3A_333 = arith.addi %shift_left3A_220, %add3A_332 : vector<16xi32>
        %gather3A_334 = tpu.vector_load_idx %arg5[%add3A_333] : memref<512xf32, #tpu.memory_space<vmem>>[vector<16xi32>], vector<16xf32>,
        %mul3A_335 = arith.constant 16 : i32
        %mul3A_336 = arith.muli %scan3A_213, %mul3A_335 : i32
        %swap3A_337 = arith.constant 11 : i32
        %swap3A_338 = arith.index_cast %swap3A_337 : i32 to index
        %swap3A_339 = arith.index_cast %mul3A_336 : i32 to index
        %swap3A_340 = tpu.vector_load %arg7[%swap3A_338, %swap3A_339] {strides = array<i32>} : memref<16x2048xf32, #tpu.memory_space<vmem>>, vector<16xf32>,
        tpu.vector_store %arg7[%swap3A_338, %swap3A_339], %gather3A_334 {strides = array<i32>} : memref<16x2048xf32, #tpu.memory_space<vmem>>, vector<16xf32>,
        %add3A_341 = arith.constant 12 : i32
        %add3A_342 = vector.broadcast %add3A_341 : i32 to vector<16xi32>
        %add3A_343 = arith.addi %shift_left3A_220, %add3A_342 : vector<16xi32>
        %gather3A_344 = tpu.vector_load_idx %arg5[%add3A_343] : memref<512xf32, #tpu.memory_space<vmem>>[vector<16xi32>], vector<16xf32>,
        %mul3A_345 = arith.constant 16 : i32
        %mul3A_346 = arith.muli %scan3A_213, %mul3A_345 : i32
        %swap3A_347 = arith.constant 12 : i32
        %swap3A_348 = arith.index_cast %swap3A_347 : i32 to index
        %swap3A_349 = arith.index_cast %mul3A_346 : i32 to index
        %swap3A_350 = tpu.vector_load %arg7[%swap3A_348, %swap3A_349] {strides = array<i32>} : memref<16x2048xf32, #tpu.memory_space<vmem>>, vector<16xf32>,
        tpu.vector_store %arg7[%swap3A_348, %swap3A_349], %gather3A_344 {strides = array<i32>} : memref<16x2048xf32, #tpu.memory_space<vmem>>, vector<16xf32>,
        %add3A_351 = arith.constant 13 : i32
        %add3A_352 = vector.broadcast %add3A_351 : i32 to vector<16xi32>
        %add3A_353 = arith.addi %shift_left3A_220, %add3A_352 : vector<16xi32>
        %gather3A_354 = tpu.vector_load_idx %arg5[%add3A_353] : memref<512xf32, #tpu.memory_space<vmem>>[vector<16xi32>], vector<16xf32>,
        %mul3A_355 = arith.constant 16 : i32
        %mul3A_356 = arith.muli %scan3A_213, %mul3A_355 : i32
        %swap3A_357 = arith.constant 13 : i32
        %swap3A_358 = arith.index_cast %swap3A_357 : i32 to index
        %swap3A_359 = arith.index_cast %mul3A_356 : i32 to index
        %swap3A_360 = tpu.vector_load %arg7[%swap3A_358, %swap3A_359] {strides = array<i32>} : memref<16x2048xf32, #tpu.memory_space<vmem>>, vector<16xf32>,
        tpu.vector_store %arg7[%swap3A_358, %swap3A_359], %gather3A_354 {strides = array<i32>} : memref<16x2048xf32, #tpu.memory_space<vmem>>, vector<16xf32>,
        %add3A_361 = arith.constant 14 : i32
        %add3A_362 = vector.broadcast %add3A_361 : i32 to vector<16xi32>
        %add3A_363 = arith.addi %shift_left3A_220, %add3A_362 : vector<16xi32>
        %gather3A_364 = tpu.vector_load_idx %arg5[%add3A_363] : memref<512xf32, #tpu.memory_space<vmem>>[vector<16xi32>], vector<16xf32>,
        %mul3A_365 = arith.constant 16 : i32
        %mul3A_366 = arith.muli %scan3A_213, %mul3A_365 : i32
        %swap3A_367 = arith.constant 14 : i32
        %swap3A_368 = arith.index_cast %swap3A_367 : i32 to index
        %swap3A_369 = arith.index_cast %mul3A_366 : i32 to index
        %swap3A_370 = tpu.vector_load %arg7[%swap3A_368, %swap3A_369] {strides = array<i32>} : memref<16x2048xf32, #tpu.memory_space<vmem>>, vector<16xf32>,
        tpu.vector_store %arg7[%swap3A_368, %swap3A_369], %gather3A_364 {strides = array<i32>} : memref<16x2048xf32, #tpu.memory_space<vmem>>, vector<16xf32>,
        %add3A_371 = arith.constant 15 : i32
        %add3A_372 = vector.broadcast %add3A_371 : i32 to vector<16xi32>
        %add3A_373 = arith.addi %shift_left3A_220, %add3A_372 : vector<16xi32>
        %gather3A_374 = tpu.vector_load_idx %arg5[%add3A_373] : memref<512xf32, #tpu.memory_space<vmem>>[vector<16xi32>], vector<16xf32>,
        %mul3A_375 = arith.constant 16 : i32
        %mul3A_376 = arith.muli %scan3A_213, %mul3A_375 : i32
        %swap3A_377 = arith.constant 15 : i32
        %swap3A_378 = arith.index_cast %swap3A_377 : i32 to index
        %swap3A_379 = arith.index_cast %mul3A_376 : i32 to index
        %swap3A_380 = tpu.vector_load %arg7[%swap3A_378, %swap3A_379] {strides = array<i32>} : memref<16x2048xf32, #tpu.memory_space<vmem>>, vector<16xf32>,
        tpu.vector_store %arg7[%swap3A_378, %swap3A_379], %gather3A_374 {strides = array<i32>} : memref<16x2048xf32, #tpu.memory_space<vmem>>, vector<16xf32>,
      }
      %scan3A_47 = arith.constant 128 : i32
      "tpu.region"() ({
        %run_scoped3A = tpu.sem_alloc : memref<!tpu.dma_semaphore, #tpu.memory_space<semaphore_mem>>
        %dma_start3A = arith.constant 0 : i32
        %dma_start3A_48 = tpu.memref_slice %arg4[%select_n3A, %dma_start3A, %add3A_41] : memref<2x16x4194304xf32, #tpu.memory_space<hbm>> -> memref<1x16x2048xf32, #tpu.memory_space<hbm>>
        %dma_start3A_49 = tpu.memref_squeeze %dma_start3A_48 : memref<1x16x2048xf32, #tpu.memory_space<hbm>> -> memref<16x2048xf32, #tpu.memory_space<hbm>>
        %dma_start3A_50 = arith.constant 0 : i32
        %dma_start3A_51 = tpu.memref_slice %arg4[%select_n3A, %dma_start3A_50, %add3A_41] : memref<2x16x4194304xf32, #tpu.memory_space<hbm>> -> memref<1x16x2048xf32, #tpu.memory_space<hbm>>
        %dma_start3A_52 = tpu.memref_squeeze %dma_start3A_51 : memref<1x16x2048xf32, #tpu.memory_space<hbm>> -> memref<16x2048xf32, #tpu.memory_space<hbm>>
        tpu.enqueue_dma source(%arg7 : memref<16x2048xf32, #tpu.memory_space<vmem>>) target(%dma_start3A_52 : memref<16x2048xf32, #tpu.memory_space<hbm>>) target_semaphore(%run_scoped3A : memref<!tpu.dma_semaphore, #tpu.memory_space<semaphore_mem>>)
        %dma_wait3A = arith.constant 0 : i32
        %dma_wait3A_53 = tpu.memref_slice %arg4[%select_n3A, %dma_wait3A, %add3A_41] : memref<2x16x4194304xf32, #tpu.memory_space<hbm>> -> memref<1x16x2048xf32, #tpu.memory_space<hbm>>
        %dma_wait3A_54 = tpu.memref_squeeze %dma_wait3A_53 : memref<1x16x2048xf32, #tpu.memory_space<hbm>> -> memref<16x2048xf32, #tpu.memory_space<hbm>>
        %dma_wait3A_55 = arith.constant 0 : i32
        %dma_wait3A_56 = tpu.memref_slice %arg4[%select_n3A, %dma_wait3A_55, %add3A_41] : memref<2x16x4194304xf32, #tpu.memory_space<hbm>> -> memref<1x16x2048xf32, #tpu.memory_space<hbm>>
        %dma_wait3A_57 = tpu.memref_squeeze %dma_wait3A_56 : memref<1x16x2048xf32, #tpu.memory_space<hbm>> -> memref<16x2048xf32, #tpu.memory_space<hbm>>
        tpu.wait_dma2 semaphore(%run_scoped3A : memref<!tpu.dma_semaphore, #tpu.memory_space<semaphore_mem>>) src(%arg7 : memref<16x2048xf32, #tpu.memory_space<vmem>>) dst(%dma_wait3A_57 : memref<16x2048xf32, #tpu.memory_space<hbm>>)
        tpu.yield
      }) : () -> ()
    }
    %scan3A_37 = arith.constant 128 : i32
    return
  }
}

</mosaic_0001>

<sc_bundles>
// kernel: kernel.3.cloned.1.call-start
scs
__scs_entry_jumppad:
0x0: {  	(pc) =	sbr.rel $0x88, $3  }
0x1: {  	(tag) =	ssettag $0x0;
	lr =	simm.s32 $0x1  }
0x2: {  	[smem:$0x3F9F] =	sst lr;
	_ =	strace $0xD0000000  }
0x3: {  	_ = 	snop  }
0x4: {  	_ = 	snop  }
0x5: {  	_ = 	snop  }
0x6: {  	_ = 	snop  }
0x7: {  	_ = 	snop  }
__scs_overlays_trampoline_lowered:
0x8: {  	[smem:$0x3FAE] =	sst s0  }
0x9: {  	[smem:$0x3FAF] =	sst s1  }
0xa: {  	[smem:$0x3FB0] =	sst s2  }
0xb: {  	[smem:$0x3FB1] =	sst s3  }
0xc: {  	[smem:$0x3FB2] =	sst s4  }
0xd: {  	[smem:$0x3FB3] =	sst s5  }
0xe: {  	[smem:$0x3FB4] =	sst s6  }
0xf: {  	[smem:$0x3FB5] =	sst s7  }
0x10: {  	[smem:$0x3FB6] =	sst s8  }
0x11: {  	[smem:$0x3FB7] =	sst s9;
	s0 =	simm.s32 @!p0 $0x0  }
0x12: {  	s1 =	sld [smem:$0x3F9D];
	s0 =	simm.s32 @p0 $0x1  }
0x13: {  	[smem:$0x3FB8] =	sst s0;
	s0 =	simm.s32 @!p1 $0x0  }
0x14: {  	s2 =	sld [smem:$0x3F9C];
	s0 =	simm.s32 @p1 $0x1  }
0x15: {  	[smem:$0x3FB9] =	sst s0;
	s0 =	simm.s32 @!p2 $0x0  }
0x16: {  	s3 =	sld [smem:$0x3FDB];
	s0 =	simm.s32 @p2 $0x1  }
0x17: {  	s4 =	simm.s32 $0x1BF5;
	[smem:$0x3FBB] =	sst s0  }
0x18: {  	s0 =	sld [smem:$0x3F9E];
	_ =	swait.ge [sflag:s4], $0x0  }
0x19: {  	s7 =	sld [smem:$0x3F9F]  }
0x1a: {  	s8 =	sadd.s32 $0xFFFFE003, lr  }
0x1b: {  	s9 =	sadd.s32 $0xFFFFFEF7, lr;
	s5 =	simm.s32 $0xFFFFFFFF;
	p2 =	slt.u32 s8, $0xFFFFF086  }
0x1c: {  	p1 =	slt.u32 s9, $0xF7A;
	s5 =	simm.s32 @!p2 $0x0  }
0x1d: {  	s5 =	simm.s32 @p1 $0x1;
	p0 =	seq.s32 s7, s2  }
0x1e: {  	s7 =	smul.u32 @!p0 $0xF7A, s2;
	p2 =	seq.s32 @!p0 s5, $0x0  }
0x1f: {  	s9 =	smul.u32 $0xF7A, s1;
	s8 =	simm.s32 @!p0 $0x1BF5;
	p2 =	por !p2, p0  }
0x20: {  	[sflag:s8] =	ssyncset.s32 @!p0 $0xFFFFF086;
	s6 =	sadd.s32 @!p0 s3, s7;
	s7 =	simm.s32 @!p0 $0x108  }
0x21: {  	s3 =	sadd.s32 s3, s9;
	s6 =	sadd.s32 @!p0 $0x88, s6;
	s7 =	simm.s32 @p2 $0x1082  }
0x22: {  	[simem:s7], [sflag:s8] =	dma.local @!p0 [hbm:s6], $0xF7A  }
0x23: {  	s9 =	sor.u32 $0xD0000000, s2;
	s6 =	simm.s32 $0x108;
	_ =	swait.ge @!p0 [sflag:s8], $0x0  }
0x24: {  	s3 =	sadd.s32 $0x88, s3;
	s6 =	simm.s32 @!p1 $0x1082;
	[sflag:s4] =	ssyncset.s32 $0xFFFFF086  }
0x25: {  	[simem:s6], [sflag:s4] =	dma.local [hbm:s3], $0xF7A  }
0x26: {  	[smem:$0x3F9F] =	sst s1;
	(tag) =	ssettag s2;
	_ =	strace s9  }
0x27: {  	s1 =	sld [smem:$0x3FAF]  }
0x28: {  	s2 =	sld [smem:$0x3FB0]  }
0x29: {  	s4 =	sld [smem:$0x3FB2]  }
0x2a: {  	p0 =	seq.s32 s5, $0x0;
	s5 =	sld [smem:$0x3FB3]  }
0x2b: {  	s6 =	sld [smem:$0x3FB4]  }
0x2c: {  	s7 =	sld [smem:$0x3FB5]  }
0x2d: {  	s3 =	simm.s32 $0x108;
	s8 =	sld [smem:$0x3FB6]  }
0x2e: {  	s3 =	simm.s32 @!p0 $0x1082;
	s9 =	sld [smem:$0x3FB7]  }
0x2f: {  	lr =	sadd.s32 s0, s3;
	s0 =	sld [smem:$0x3FAE]  }
0x30: {  	s3 =	sld [smem:$0x3FB1]  }
0x31: {  	[smem:$0x3FBA] =	sst s10  }
0x32: {  	s10 =	sld [smem:$0x3FB8];
	_ =	sdelay $0x3  }
0x33: {  	p0 =	seq.s32 s10, $0x1;
	s10 =	sld [smem:$0x3FBA];
	_ =	sdelay $0x3  }
0x34: {  	[smem:$0x3FBA] =	sst s10  }
0x35: {  	s10 =	sld [smem:$0x3FB9];
	_ =	sdelay $0x3  }
0x36: {  	p1 =	seq.s32 s10, $0x1;
	s10 =	sld [smem:$0x3FBA];
	_ =	sdelay $0x3  }
0x37: {  	[smem:$0x3FBA] =	sst s10  }
0x38: {  	s10 =	sld [smem:$0x3FBB]  }
0x39: {  	_ = 	snop;
	(pc) =	sbr.ind lr, $3  }
0x3a: {  	_ = 	snop  }
0x3b: {  	_ = 	snop  }
0x3c: {  	p2 =	seq.s32 s10, $0x1;
	s10 =	sld [smem:$0x3FBA]  }
0x3d: {  	_ =	shalt  }
0x3e: {  	_ =	shalt  }
0x3f: {  	_ =	shalt  }
0x40: {  	_ =	shalt  }
0x41: {  	_ =	shalt  }
0x42: {  	_ =	shalt  }
0x43: {  	_ =	shalt  }
0x44: {  	_ =	shalt  }
0x45: {  	_ =	shalt  }
0x46: {  	_ =	shalt  }
0x47: {  	_ =	shalt  }
0x48: {  	_ =	shalt  }
0x49: {  	_ =	shalt  }
0x4a: {  	_ =	shalt  }
0x4b: {  	_ =	shalt  }
0x4c: {  	_ =	shalt  }
0x4d: {  	_ =	shalt  }
0x4e: {  	_ =	shalt  }
0x4f: {  	_ =	shalt  }
0x50: {  	_ =	shalt  }
0x51: {  	_ =	shalt  }
0x52: {  	_ =	shalt  }
0x53: {  	_ =	shalt  }
0x54: {  	_ =	shalt  }
0x55: {  	_ =	shalt  }
0x56: {  	_ =	shalt  }
0x57: {  	_ =	shalt  }
0x58: {  	_ =	shalt  }
0x59: {  	_ =	shalt  }
0x5a: {  	_ =	shalt  }
0x5b: {  	_ =	shalt  }
0x5c: {  	_ =	shalt  }
0x5d: {  	_ =	shalt  }
0x5e: {  	_ =	shalt  }
0x5f: {  	_ =	shalt  }
0x60: {  	_ =	shalt  }
0x61: {  	_ =	shalt  }
0x62: {  	_ =	shalt  }
0x63: {  	_ =	shalt  }
0x64: {  	_ =	shalt  }
0x65: {  	_ =	shalt  }
0x66: {  	_ =	shalt  }
0x67: {  	_ =	shalt  }
0x68: {  	_ =	shalt  }
0x69: {  	_ =	shalt  }
0x6a: {  	_ =	shalt  }
0x6b: {  	_ =	shalt  }
0x6c: {  	_ =	shalt  }
0x6d: {  	_ =	shalt  }
0x6e: {  	_ =	shalt  }
0x6f: {  	_ =	shalt  }
0x70: {  	_ =	shalt  }
0x71: {  	_ =	shalt  }
0x72: {  	_ =	shalt  }
0x73: {  	_ =	shalt  }
0x74: {  	_ =	shalt  }
0x75: {  	_ =	shalt  }
0x76: {  	_ =	shalt  }
0x77: {  	_ =	shalt  }
0x78: {  	_ =	shalt  }
0x79: {  	_ =	shalt  }
0x7a: {  	_ =	shalt  }
0x7b: {  	_ =	shalt  }
0x7c: {  	_ =	shalt  }
0x7d: {  	_ =	shalt  }
0x7e: {  	_ =	shalt  }
0x7f: {  	_ =	shalt  }
0x80: {  	_ =	shalt  }
0x81: {  	_ =	shalt  }
0x82: {  	_ =	shalt  }
0x83: {  	_ =	shalt  }
0x84: {  	_ =	shalt  }
0x85: {  	_ =	shalt  }
0x86: {  	_ =	shalt  }
0x87: {  	_ =	shalt  }
.Lfunc_end0:
.L_simem_size_0:
called_computation.2_lowered:
.L_overlay_start_0:
0x88: {  	s2 =	sld [smem:$0x3FD9]  }
0x89: {  	s3 =	sld [smem:$0x3FFE];
	_ =	sdelay $0x1  }
0x8a: {  	s1 =	srdreg.scid  }
0x8b: {  	s0 =	sand.u32 $0x1, s1  }
0x8c: {  	s17 =	sshll.u32 s0, $0xA;
	s2 =	sadd.s32 s3, s2  }
0x8d: {  	s2 =	sadd.s32 s2, s17  }
0x8e: {  	[smem:$0x3FC6] =	sst s2  }
0x8f: {  	_ = 	snop  }
0x90: {  	s2 =	sld [smem:$0x3FD0];
	(tm) =	ssettm $0x1  }
0x91: {  	s18 =	sld [smem:$0x3FFB];
	_ =	sdelay $0x3  }
0x92: {  	_ =	strace s18  }
0x93: {  	s3 =	sld [smem:$0x3FFC];
	_ =	sdelay $0x3  }
0x94: {  	_ =	strace s3  }
0x95: {  	s3 =	sld [smem:$0x3FFD];
	_ =	sdelay $0x3  }
0x96: {  	_ =	strace s3  }
0x97: {  	_ =	strace $0x8FFFFFFF  }
0x98: {  	s19 =	sld [smem:$0x3FDB];
	_ =	sdelay $0x1  }
0x99: {  	s4 =	simm.s32 $_scs_section_size  }
0x9a: {  	s5 =	simm.s32 $_size__tile_overlayer_lowered;
	s6 =	simm.s32 $_tile_overlayer_lowered  }
0x9b: {  	s22 =	simm.s32 $0x1BFF;
	s21 =	sshll.u32 s6, $0x1;
	s3 =	sadd.s32 s4, s19  }
0x9c: {  	s7 =	simm.s32 $0x0;
	s20 =	sshll.u32 s5, $0x1;
	s5 =	sadd.s32 s21, s3  }
0x9d: {  	[timem:s7], [sflag:s22] =	dma.local [hbm:s5], s20  }
0x9e: {  	_ =	swait.ge [sflag:s22], s20  }
0x9f: {  	s4 =	ssub.s32 $0x0, s20;
	[sflag:s22] =	ssyncset.done $0x0  }
0xa0: {  	[sflag:s22] =	ssyncadd.s32 s4;
	_ =	sdelay $0x1  }
0xa1: {  	s23 =	simm.s32 $0x1B8B  }
0xa2: {  	_ =	swait.ge [sflag:s23], $0x1  }
0xa3: {  	[sflag:s23] =	ssyncset.done $0x0  }
0xa4: {  	s25 =	simm.s32 $0x1B8E;
	s24 =	sld [smem:$0x3FFE];
	[sflag:s23] =	ssyncadd.s32 $0xFFFFFFFF  }
0xa5: {  	s26 =	simm.s32 $execute0_lowered;
	[smem:$0x3FD2] =	sst s25  }
0xa6: {  	s5 =	sshll.u32 s26, $0x1;
	_ =	strace $0x80000049;
	[dreg:$0x1] =	wrdreg $0xFFFFFFFF  }
0xa7: {  	s28 =	simm.s32 $_size_execute0_lowered;
	s3 =	sadd.s32 s3, s5;
	[dreg:$0x0] =	wrdreg $0x0  }
0xa8: {  	s5 =	sshll.u32 s28, $0x1;
	[dreg:$0x2] =	wrdreg s3  }
0xa9: {  	[dreg:$0x3] =	wrdreg s5  }
0xaa: {  	[dreg:$0x4] =	wrdreg $0xC0  }
0xab: {  	_ =	task [dreg:s7], $0x5FFFF  }
0xac: {  	[dreg:$0x1] =	wrdreg $0xFFFFFFFF  }
0xad: {  	[dreg:$0x0] =	wrdreg $0x60  }
0xae: {  	[dreg:$0x2] =	wrdreg s2  }
0xaf: {  	[dreg:$0x3] =	wrdreg s24  }
0xb0: {  	[dreg:$0x4] =	wrdreg $0x9  }
0xb1: {  	_ =	task.clear_ibuf [dreg:s7], $0x5FFFF;
	_ =	strace $0x90000049  }
0xb2: {  	s29 =	simm.s32 $0x9;
	_ =	strace $0x8000004B  }
0xb3: {  	_ =	swait.ge [sflag:s29], $0x1  }
0xb4: {  	[sflag:s29] =	ssyncadd.s32 $0xFFFFFFFF  }
0xb5: {  	_ =	strace $0x9000004B  }
0xb6: {  	_ =	sfence  }
0xb7: {  	s30 =	sld [smem:$0x0];
	_ =	sdelay $0x2  }
0xb8: {  	s31 =	sshll.u32 s1, $0xD;
	s1 =	sshrl.u32 s1, $0x2  }
0xb9: {  	s3 =	sand.u32 $0x4000, s31;
	s1 =	sadd.s32 s1, s30  }
0xba: {  	s0 =	sor.u32 s3, s0;
	s1 =	sshll.u32 s1, $0x11  }
0xbb: {  	s0 =	sor.u32 s1, s0  }
0xbc: {  	s0 =	sadd.s32 $0x8F2B, s0  }
0xbd: {  	[sflag:s0] =	ssyncadd.remote.s32 $0x1  }
0xbe: {  	_ =	sfence.sel $0xFFFF  }
0xbf: {  	[dreg:$0x0] =	wrdreg $0xFFFFFFFF;
	(pc) =	sbr.abs _section_cstart, $3  }
0xc0: {  	[dreg:$0x1] =	wrdreg $0xFFFFFFFF  }
0xc1: {  	_ =	task.clear_ibuf [dreg:s7], $0x2FFFF;
	_ =	strace $0x9FFFFFFF  }
0xc2: {  	(tm) =	ssettm $0x7FFFFFFF  }
0xc3: {  	_ =	shalt  }
tec
execute0_lowered:
.L_overlay_start_1:
0x0: {  	(tag) =	ssettag $0x1  }
0x1: {  	s1 =	rddreg [dreg:$0x0]  }
0x2: {  	s0 =	rddreg [dreg:$0x1];
	s3 =	simm.s32 $0x0;
	s5 =	stileid.u32  }
0x3: {  	s29 =	srdreg.scid;
	s9 =	simm.s32 $0x1;
	s10 =	simm.s32 $0x80  }
0x4: {  	s11 =	simm.s32 $0x100;
	s12 =	simm.s32 $0x4000;
	s13 =	simm.s32 $0x2000000  }
0x5: {  	s14 =	simm.s32 $0xA00;
	[smem:$0x7FF] =	sst s3;
	s2 =	sadd.s32 $0xC00, s0  }
0x6: {  	_ =	strace $0x8000004A;
	[dreg:$0x3] =	wrdreg s2;
	s2 =	sand.u32 $0x1, s29  }
0x7: {  	s4 =	sshrl.u32 s5, $0x3;
	s5 =	sshll.u32 s5, $0x1;
	s7 =	ssub.s32 $0x2, s2  }
0x8: {  	s6 =	sshll.u32 s4, $0x17;
	s5 =	sand.u32 $0xE, s5;
	s30 =	sshrl.u32 s7, $0x1  }
0x9: {  	s0 =	sadd.s32 s6, s0;
	s2 =	sor.u32 s2, s5;
	s8 =	ssub.s32 s7, s30  }
0xa: {  	s6 =	sshll.u32 s4, $0x7;
	s5 =	sshll.u32 s2, $0x12;
	s31 =	smax.u32 s8, $0x1  }
0xb: {  	s2 =	simm.s32 $0x0;
	s7 =	sadd.s32 $0xE00, s0;
	[dreg:$0x4] =	wrdreg s31  }
.LBB2_1:
0xc: {  	[dreg:$0x5] =	wrdreg s2  }
0xd: {  	s0 =	rddreg [dreg:$0x3]  }
0xe: {  	[tilespmem:s3], [sflag:$0x1] =	stream.linear.gather [hbm4b:s0+s3], $0x200, $0x38;
	[tilespmem:$0x8A00] =	vst v63  }
0xf: {  	_ =	swait.ge [sflag:s9], $0x200  }
0x10: {  	[sflag:s9] =	ssyncset.done $0x0  }
0x11: {  	s16 =	simm.s32 $0x0;
	[sflag:s9] =	ssyncadd.s32 $0xFFFFFE00  }
.LBB2_2:
0x12: {  	s0 =	sshll.u32 s16, $0xB  }
0x13: {  	s17 =	sadd.s32 s5, s0  }
0x14: {  	s0 =	sshll.u32 s17, $0x1  }
0x15: {  	s0 =	sor.u32 s6, s0  }
0x16: {  	s0 =	sshrl.u32 s0, $0x3  }
0x17: {  	s18 =	simm.s32 $0x200;
	s0 =	sadd.s32 s1, s0  }
0x18: {  	[tilespmem:s18], [sflag:$0x1] =	stream.strided.gather [hbm4b:s0+s10], $0x800, s11, s10, $0x38;
	[tilespmem:$0x8A00] =	vst v63  }
0x19: {  	_ =	swait.ge [sflag:s9], $0x800  }
0x1a: {  	s19 =	simm.s32 $0xFFFFFFFE;
	s20 =	simm.s32 $0x0;
	[sflag:s9] =	ssyncset.done $0x0  }
0x1b: {  	s21 =	simm.s32 $0x0;
	s22 =	simm.s32 $0x0;
	[sflag:s9] =	ssyncadd.s32 $0xFFFFF800  }
.LBB2_3:
0x1c: {  	v0 =	vld [tilespmem:s18+$0x0];
	_ =	sdelay $0x4  }
0x1d: {  	v0 =	vshll.u32 v0, $0x4;
	_ =	sdelay $0x4  }
0x1e: {  	v1 =	vld.idx.msk [tilespmem:v0+s3+$0x0], $0xffff  }
0x1f: {  	v2 =	vor.u32 $0x1, v0  }
0x20: {  	s0 =	sand.u32 $0x3C00, s22  }
0x21: {  	s30 =	sand.u32 $0x60, s20;
	s23 =	sadd.s32 $0xA00, s0  }
0x22: {  	s2 =	sor.u32 s30, s23  }
0x23: {  	[tilespmem:s2+$0x0] =	vst v1  }
0x24: {  	v1 =	vld.idx.msk [tilespmem:v2+s3+$0x0], $0xffff  }
0x25: {  	v37 =	vor.u32 $0x2, v0;
	_ =	sdelay $0x3  }
0x26: {  	[tilespmem:s2+$0x80] =	vst v1  }
0x27: {  	v1 =	vld.idx.msk [tilespmem:v37+s3+$0x0], $0xffff  }
0x28: {  	v38 =	vor.u32 $0x3, v0;
	_ =	sdelay $0x3  }
0x29: {  	[tilespmem:s2+$0x100] =	vst v1  }
0x2a: {  	v1 =	vld.idx.msk [tilespmem:v38+s3+$0x0], $0xffff  }
0x2b: {  	v39 =	vor.u32 $0x4, v0;
	_ =	sdelay $0x3  }
0x2c: {  	[tilespmem:s2+$0x180] =	vst v1  }
0x2d: {  	v1 =	vld.idx.msk [tilespmem:v39+s3+$0x0], $0xffff  }
0x2e: {  	v40 =	vor.u32 $0x5, v0;
	_ =	sdelay $0x3  }
0x2f: {  	[tilespmem:s2+$0x200] =	vst v1  }
0x30: {  	v1 =	vld.idx.msk [tilespmem:v40+s3+$0x0], $0xffff  }
0x31: {  	v41 =	vor.u32 $0x6, v0;
	_ =	sdelay $0x3  }
0x32: {  	[tilespmem:s2+$0x280] =	vst v1  }
0x33: {  	v1 =	vld.idx.msk [tilespmem:v41+s3+$0x0], $0xffff  }
0x34: {  	s25 =	sand.u32 $0x3, s21;
	v42 =	vor.u32 $0x7, v0  }
0x35: {  	s2 =	sshll.u32 s25, $0x5  }
0x36: {  	s24 =	sadd.s32 s2, s22  }
0x37: {  	s2 =	sor.u32 $0x300, s24  }
0x38: {  	[tilespmem:s2+$0xA00] =	vst v1  }
0x39: {  	v1 =	vld.idx.msk [tilespmem:v42+s3+$0x0], $0xffff  }
0x3a: {  	v43 =	vor.u32 $0x8, v0;
	_ =	sdelay $0x2  }
0x3b: {  	s26 =	sor.u32 $0x380, s24  }
0x3c: {  	[tilespmem:s26+$0xA00] =	vst v1  }
0x3d: {  	v1 =	vld.idx.msk [tilespmem:v43+s3+$0x0], $0xffff  }
0x3e: {  	v44 =	vor.u32 $0x9, v0;
	_ =	sdelay $0x1  }
0x3f: {  	s25 =	sadd.s32 $0x4A00, s0  }
0x40: {  	s28 =	sor.u32 s30, s25  }
0x41: {  	[tilespmem:s28+$0x0] =	vst v1  }
0x42: {  	v1 =	vld.idx.msk [tilespmem:v44+s3+$0x0], $0xffff  }
0x43: {  	v45 =	vor.u32 $0xA, v0;
	_ =	sdelay $0x1  }
0x44: {  	s26 =	sadd.s32 $0x4A80, s0  }
0x45: {  	s29 =	sor.u32 s30, s26  }
0x46: {  	[tilespmem:s29+$0x0] =	vst v1  }
0x47: {  	v1 =	vld.idx.msk [tilespmem:v45+s3+$0x0], $0xffff  }
0x48: {  	v46 =	vor.u32 $0xB, v0;
	_ =	sdelay $0x1  }
0x49: {  	s28 =	sadd.s32 $0x4B00, s0  }
0x4a: {  	s31 =	sor.u32 s30, s28  }
0x4b: {  	[tilespmem:s31+$0x0] =	vst v1  }
0x4c: {  	v1 =	vld.idx.msk [tilespmem:v46+s3+$0x0], $0xffff  }
0x4d: {  	v47 =	vor.u32 $0xC, v0;
	_ =	sdelay $0x1  }
0x4e: {  	s29 =	sadd.s32 $0x4B80, s0  }
0x4f: {  	s4 =	sor.u32 s30, s29  }
0x50: {  	[tilespmem:s4+$0x0] =	vst v1  }
0x51: {  	v1 =	vld.idx.msk [tilespmem:v47+s3+$0x0], $0xffff  }
0x52: {  	v48 =	vor.u32 $0xD, v0;
	_ =	sdelay $0x1  }
0x53: {  	s31 =	sadd.s32 $0x4C00, s0  }
0x54: {  	s8 =	sor.u32 s30, s31  }
0x55: {  	[tilespmem:s8+$0x0] =	vst v1  }
0x56: {  	v1 =	vld.idx.msk [tilespmem:v48+s3+$0x0], $0xffff  }
0x57: {  	v49 =	vor.u32 $0xE, v0;
	_ =	sdelay $0x1  }
0x58: {  	s2 =	sadd.s32 $0x4C80, s0  }
0x59: {  	s4 =	sor.u32 s30, s2  }
0x5a: {  	[tilespmem:s4+$0x0] =	vst v1  }
0x5b: {  	v1 =	vld.idx.msk [tilespmem:v49+s3+$0x0], $0xffff  }
0x5c: {  	v0 =	vor.u32 $0xF, v0;
	_ =	sdelay $0x1  }
0x5d: {  	s4 =	sadd.s32 $0x4D00, s0  }
0x5e: {  	s8 =	sor.u32 s30, s4  }
0x5f: {  	[tilespmem:s8+$0x0] =	vst v1  }
0x60: {  	v0 =	vld.idx.msk [tilespmem:v0+s3+$0x0], $0xffff;
	_ =	sdelay $0x2  }
0x61: {  	s0 =	sadd.s32 $0x4D80, s0  }
0x62: {  	s15 =	sand.u32 $0x780, s20;
	s8 =	sor.u32 s30, s0;
	s30 =	sor.u32 $0x10, s30  }
0x63: {  	s15 =	sor.u32 s30, s15;
	[tilespmem:s8+$0x0] =	vst v0  }
0x64: {  	v0 =	vld [tilespmem:s15+$0x200];
	_ =	sdelay $0x4  }
0x65: {  	v0 =	vshll.u32 v0, $0x4;
	_ =	sdelay $0x4  }
0x66: {  	v1 =	vld.idx.msk [tilespmem:v0+s3+$0x0], $0xffff  }
0x67: {  	v50 =	vor.u32 $0x1, v0;
	_ =	sdelay $0x2  }
0x68: {  	s23 =	sor.u32 s30, s23  }
0x69: {  	[tilespmem:s23+$0x0] =	vst v1  }
0x6a: {  	v1 =	vld.idx.msk [tilespmem:v50+s3+$0x0], $0xffff  }
0x6b: {  	v51 =	vor.u32 $0x2, v0;
	_ =	sdelay $0x3  }
0x6c: {  	[tilespmem:s23+$0x80] =	vst v1  }
0x6d: {  	v1 =	vld.idx.msk [tilespmem:v51+s3+$0x0], $0xffff  }
0x6e: {  	v52 =	vor.u32 $0x3, v0;
	_ =	sdelay $0x3  }
0x6f: {  	[tilespmem:s23+$0x100] =	vst v1  }
0x70: {  	v1 =	vld.idx.msk [tilespmem:v52+s3+$0x0], $0xffff  }
0x71: {  	v53 =	vor.u32 $0x4, v0;
	_ =	sdelay $0x3  }
0x72: {  	[tilespmem:s23+$0x180] =	vst v1  }
0x73: {  	v1 =	vld.idx.msk [tilespmem:v53+s3+$0x0], $0xffff  }
0x74: {  	v54 =	vor.u32 $0x5, v0;
	_ =	sdelay $0x3  }
0x75: {  	[tilespmem:s23+$0x200] =	vst v1  }
0x76: {  	v1 =	vld.idx.msk [tilespmem:v54+s3+$0x0], $0xffff  }
0x77: {  	v55 =	vor.u32 $0x6, v0;
	_ =	sdelay $0x3  }
0x78: {  	[tilespmem:s23+$0x280] =	vst v1  }
0x79: {  	v1 =	vld.idx.msk [tilespmem:v55+s3+$0x0], $0xffff  }
0x7a: {  	v56 =	vor.u32 $0x7, v0;
	_ =	sdelay $0x1  }
0x7b: {  	s24 =	sadd.s32 $0x10, s24  }
0x7c: {  	s23 =	sor.u32 $0x300, s24  }
0x7d: {  	[tilespmem:s23+$0xA00] =	vst v1  }
0x7e: {  	v1 =	vld.idx.msk [tilespmem:v56+s3+$0x0], $0xffff  }
0x7f: {  	v57 =	vor.u32 $0x8, v0;
	_ =	sdelay $0x2  }
0x80: {  	s8 =	sor.u32 $0x380, s24  }
0x81: {  	[tilespmem:s8+$0xA00] =	vst v1  }
0x82: {  	v1 =	vld.idx.msk [tilespmem:v57+s3+$0x0], $0xffff  }
0x83: {  	v58 =	vor.u32 $0x9, v0;
	_ =	sdelay $0x2  }
0x84: {  	s24 =	sor.u32 s30, s25  }
0x85: {  	[tilespmem:s24+$0x0] =	vst v1  }
0x86: {  	v1 =	vld.idx.msk [tilespmem:v58+s3+$0x0], $0xffff  }
0x87: {  	v59 =	vor.u32 $0xA, v0;
	_ =	sdelay $0x2  }
0x88: {  	s25 =	sor.u32 s30, s26  }
0x89: {  	[tilespmem:s25+$0x0] =	vst v1  }
0x8a: {  	v1 =	vld.idx.msk [tilespmem:v59+s3+$0x0], $0xffff  }
0x8b: {  	v60 =	vor.u32 $0xB, v0;
	_ =	sdelay $0x2  }
0x8c: {  	s26 =	sor.u32 s30, s28  }
0x8d: {  	[tilespmem:s26+$0x0] =	vst v1  }
0x8e: {  	v1 =	vld.idx.msk [tilespmem:v60+s3+$0x0], $0xffff  }
0x8f: {  	v61 =	vor.u32 $0xC, v0;
	_ =	sdelay $0x2  }
0x90: {  	s28 =	sor.u32 s30, s29  }
0x91: {  	[tilespmem:s28+$0x0] =	vst v1  }
0x92: {  	v1 =	vld.idx.msk [tilespmem:v61+s3+$0x0], $0xffff  }
0x93: {  	v62 =	vor.u32 $0xD, v0;
	_ =	sdelay $0x2  }
0x94: {  	s29 =	sor.u32 s30, s31  }
0x95: {  	[tilespmem:s29+$0x0] =	vst v1  }
0x96: {  	v1 =	vld.idx.msk [tilespmem:v62+s3+$0x0], $0xffff  }
0x97: {  	v63 =	vor.u32 $0xE, v0;
	_ =	sdelay $0x2  }
0x98: {  	s2 =	sor.u32 s30, s2  }
0x99: {  	[tilespmem:s2+$0x0] =	vst v1  }
0x9a: {  	v1 =	vld.idx.msk [tilespmem:v63+s3+$0x0], $0xffff  }
0x9b: {  	v0 =	vor.u32 $0xF, v0;
	_ =	sdelay $0x2  }
0x9c: {  	s31 =	sor.u32 s30, s4  }
0x9d: {  	s19 =	sadd.s32 $0x2, s19;
	[tilespmem:s31+$0x0] =	vst v1  }
0x9e: {  	p0 =	slt.u32 s19, $0x7E;
	v0 =	vld.idx.msk [tilespmem:v0+s3+$0x0], $0xffff  }
.Ltmp0:
0x9f: {  	_ = 	snop;
	(pc) =	sbr.rel @p0 .LBB2_3-.Ltmp0, $3  }
0xa0: {  	_ =	sdelay $0x1  }
0xa1: {  	s21 =	sadd.s32 $0x1, s21;
	s0 =	sor.u32 s30, s0  }
0xa2: {  	s20 =	sadd.s32 $0x20, s20;
	s18 =	sadd.s32 $0x20, s18;
	s22 =	sadd.s32 $0x100, s22;
	[tilespmem:s0+$0x0] =	vst v0  }
0xa3: {  	s16 =	sadd.s32 $0x1, s16  }
0xa4: {  	p0 =	sne.s32 s16, $0x80  }
.Ltmp1:
0xa5: {  	s0 =	sadd.s32 s17, s7;
	(pc) =	sbr.rel @p0 .LBB2_2-.Ltmp1, $4  }
0xa6: {  	[hbm4b:s0+s12] =	stream.strided.scatter [tilespmem:s14], [sflag:$0x1], $0x8000, s13, s12, $0x38;
	[tilespmem:$0x8A00] =	vst v63  }
0xa7: {  	_ =	swait.ge [sflag:s9], $0x8000  }
0xa8: {  	[sflag:s9] =	ssyncset.done $0x0  }
0xa9: {  	[sflag:s9] =	ssyncadd.s32 $0xFFFF8000  }
0xaa: {  	s2 =	rddreg [dreg:$0x5]  }
0xab: {  	s0 =	rddreg [dreg:$0x4];
	s2 =	sadd.s32 $0x1, s2  }
0xac: {  	p0 =	sne.s32 s2, s0  }
.Ltmp2:
0xad: {  	_ = 	snop;
	(pc) =	sbr.rel @p0 .LBB2_1-.Ltmp2, $1  }
0xae: {  	_ =	sdelay $0x3  }
0xaf: {  	_ =	sfence.sel $0x180000  }
0xb0: {  	[bflag:$0x0] =	sbarrier.arrive $0xFFFF  }
0xb1: {  	_ =	strace $0x9000004A  }
0xb2: {  	s0 =	stileid.u32;
	[bflag:$0x2] =	sbarrier.arrive $0xFFFF  }
0xb3: {  	p0 =	sne.s32 s0, $0x0;
	s0 =	rddreg [dreg:$0x2]  }
0xb4: {  	s0 =	sadd.s32 @!p0 $0x100000, s0  }
0xb5: {  	[sflag:s0] =	ssyncadd.tile.s32 @!p0 $0x1;
	_ =	shalt  }
.Lfunc_end2:
_tile_overlayer_lowered:
.L_overlay_start_2:
0xb6: {  	(tag) =	ssettag $0x2  }
0xb7: {  	s0 =	rddreg [dreg:$0x0];
	s2 =	stileid.u32  }
0xb8: {  	s1 =	rddreg [dreg:$0x1];
	p0 =	sne.s32 s2, $0x0  }
0xb9: {  	s3 =	rddreg [dreg:$0x2];
	[bflag:$0x3] =	sbarrier.arrive $0xFFFF;
	s2 =	simm.s32 @!p0 $0x1C01  }
0xba: {  	[timem:s3], [sflag:s2] =	dma.local @!p0 [hbm:s0], s1  }
0xbb: {  	s0 =	simm.s32 @!p0 $0x1  }
0xbc: {  	_ =	swait.ge @!p0 [sflag:s0], s1  }
0xbd: {  	s1 =	ssub.s32 @!p0 $0x0, s1;
	[sflag:s0] =	ssyncset.done @!p0 $0x0  }
0xbe: {  	[sflag:s0] =	ssyncadd.s32 @!p0 s1  }
0xbf: {  	[bflag:$0x3] =	sbarrier.arrive $0xFFFF  }
0xc0: {  	_ =	shalt  }

// kernel: sparse-core-data-format-call.1.cloned.1.call-start
scs
called_computation.1_lowered:
.L_overlay_start_0:
0x0: {  	s2 =	sld [smem:$0x3FD9]  }
0x1: {  	s3 =	sld [smem:$0x3FFE];
	_ =	sdelay $0x1  }
0x2: {  	s1 =	srdreg.scid  }
0x3: {  	s0 =	sand.u32 $0x1, s1  }
0x4: {  	s19 =	sshll.u32 s0, $0xA;
	s2 =	sadd.s32 s3, s2  }
0x5: {  	s2 =	sadd.s32 s2, s19  }
0x6: {  	[smem:$0x3FC6] =	sst s2  }
0x7: {  	_ = 	snop  }
0x8: {  	s2 =	sld [smem:$0x3FC9]  }
0x9: {  	s20 =	sld [smem:$0x3FD0];
	(tm) =	ssettm $0x1  }
0xa: {  	s4 =	sld [smem:$0x3FFB];
	_ =	sdelay $0x3  }
0xb: {  	_ =	strace s4  }
0xc: {  	s4 =	sld [smem:$0x3FFC];
	_ =	sdelay $0x3  }
0xd: {  	_ =	strace s4  }
0xe: {  	s4 =	sld [smem:$0x3FFD];
	_ =	sdelay $0x3  }
0xf: {  	_ =	strace s4  }
0x10: {  	_ =	strace $0x8FFFFFFF  }
0x11: {  	s21 =	sld [smem:$0x3FDB];
	_ =	sdelay $0x1  }
0x12: {  	s5 =	simm.s32 $_scs_section_size  }
0x13: {  	s6 =	simm.s32 $_size__tile_overlayer_lowered;
	s7 =	simm.s32 $_tile_overlayer_lowered  }
0x14: {  	s24 =	simm.s32 $0x1BFF;
	s23 =	sshll.u32 s7, $0x1;
	s4 =	sadd.s32 s5, s21  }
0x15: {  	s8 =	simm.s32 $0x0;
	s22 =	sshll.u32 s6, $0x1;
	s6 =	sadd.s32 s23, s4  }
0x16: {  	[timem:s8], [sflag:s24] =	dma.local [hbm:s6], s22  }
0x17: {  	_ =	swait.ge [sflag:s24], s22  }
0x18: {  	s5 =	ssub.s32 $0x0, s22;
	[sflag:s24] =	ssyncset.done $0x0  }
0x19: {  	[sflag:s24] =	ssyncadd.s32 s5;
	_ =	sdelay $0x1  }
0x1a: {  	s25 =	simm.s32 $0x1B8B  }
0x1b: {  	_ =	swait.ge [sflag:s25], $0x1  }
0x1c: {  	[sflag:s25] =	ssyncset.done $0x0  }
0x1d: {  	s26 =	simm.s32 $0x1B8E;
	[sflag:s25] =	ssyncadd.s32 $0xFFFFFFFF  }
0x1e: {  	s27 =	simm.s32 $execute0_lowered;
	[smem:$0x3FD2] =	sst s26  }
0x1f: {  	s5 =	sshll.u32 s27, $0x1;
	_ =	strace $0x80000046;
	[dreg:$0x1] =	wrdreg $0xFFFFFFFF  }
0x20: {  	s28 =	simm.s32 $_size_execute0_lowered;
	s4 =	sadd.s32 s4, s5;
	[dreg:$0x0] =	wrdreg $0x0  }
0x21: {  	s5 =	sshll.u32 s28, $0x1;
	[dreg:$0x2] =	wrdreg s4  }
0x22: {  	[dreg:$0x3] =	wrdreg s5  }
0x23: {  	[dreg:$0x4] =	wrdreg $0xC0  }
0x24: {  	_ =	task [dreg:s8], $0x5FFFF  }
0x25: {  	[dreg:$0x1] =	wrdreg $0xFFFFFFFF  }
0x26: {  	[dreg:$0x0] =	wrdreg $0x60  }
0x27: {  	[dreg:$0x2] =	wrdreg s2  }
0x28: {  	[dreg:$0x3] =	wrdreg s20  }
0x29: {  	[dreg:$0x4] =	wrdreg $0x9  }
0x2a: {  	_ =	task.clear_ibuf [dreg:s8], $0x5FFFF;
	_ =	strace $0x90000046  }
0x2b: {  	s29 =	simm.s32 $0x9;
	_ =	strace $0x80000048  }
0x2c: {  	_ =	swait.ge [sflag:s29], $0x1  }
0x2d: {  	[sflag:s29] =	ssyncadd.s32 $0xFFFFFFFF  }
0x2e: {  	_ =	strace $0x90000048  }
0x2f: {  	_ =	sfence  }
0x30: {  	s30 =	sld [smem:$0x0];
	_ =	sdelay $0x2  }
0x31: {  	s31 =	sshll.u32 s1, $0xD;
	s1 =	sshrl.u32 s1, $0x2  }
0x32: {  	s3 =	sand.u32 $0x4000, s31;
	s1 =	sadd.s32 s1, s30  }
0x33: {  	s0 =	sor.u32 s3, s0;
	s1 =	sshll.u32 s1, $0x11  }
0x34: {  	s0 =	sor.u32 s1, s0  }
0x35: {  	s0 =	sadd.s32 $0x8F2B, s0  }
0x36: {  	[sflag:s0] =	ssyncadd.remote.s32 $0x1  }
0x37: {  	_ =	sfence.sel $0xFFFF  }
0x38: {  	[dreg:$0x0] =	wrdreg $0xFFFFFFFF;
	(pc) =	sbr.abs _section_cstart, $3  }
0x39: {  	[dreg:$0x1] =	wrdreg $0xFFFFFFFF  }
0x3a: {  	_ =	task.clear_ibuf [dreg:s8], $0x2FFFF;
	_ =	strace $0x9FFFFFFF  }
0x3b: {  	(tm) =	ssettm $0x7FFFFFFF  }
tec
execute0_lowered:
.L_overlay_start_1:
0x0: {  	(tag) =	ssettag $0x1  }
0x1: {  	s0 =	stileid.u32  }
0x2: {  	s1 =	srdreg.scid;
	s3 =	rddreg [dreg:$0x0]  }
0x3: {  	s31 =	simm.s32 $0x2;
	s2 =	sshll.u32 s0, $0x6;
	s1 =	sshll.u32 s1, $0xA  }
0x4: {  	s15 =	simm.s32 $0x0;
	s9 =	simm.s32 $0x1000;
	s1 =	sor.u32 s2, s1  }
0x5: {  	s10 =	simm.s32 $0x0;
	s16 =	simm.s32 $0x0;
	s1 =	sand.u32 $0x780, s1  }
0x6: {  	s17 =	simm.s32 $0x0;
	s2 =	sand.u32 $0x1, s0;
	s4 =	ssub.s32 $0x800, s1  }
0x7: {  	s11 =	simm.s32 $0x0;
	s5 =	ssub.s32 $0x2, s2;
	s6 =	sand.u32 $0x780, s4  }
0x8: {  	s7 =	sshrl.u32 s5, $0x1;
	p0 =	sne.s32 s6, $0x0;
	s6 =	simm.s32 $0x1  }
0x9: {  	s8 =	sand.u32 $0x1, s5;
	s4 =	sshrl.u32 s4, $0xB;
	s6 =	simm.s32 @!p0 $0x0  }
.Ltmp0:
0xa: {  	s7 =	sadd.s32 s8, s7;
	s6 =	sadd.s32 s6, s4;
	(pc) =	sbr.rel .LBB1_1-.Ltmp0, $4  }
0xb: {  	s14 =	simm.s32 $0x0;
	s5 =	rddreg [dreg:$0x1];
	s7 =	smul.u32 s6, s7  }
0xc: {  	s4 =	rddreg [dreg:$0x2];
	_ =	strace $0x80000047;
	s6 =	simm.s32 $0x1  }
0xd: {  	s13 =	smov.u32 s2;
	[sflag:s6] =	ssyncpa.u1 $0x0;
	s7 =	sshll.u32 s7, $0x4  }
0xe: {  	s12 =	smov.u32 s1;
	[sflag:s31] =	ssyncpa.u1 $0x0;
	s8 =	sor.u32 $0x1, s7  }
.LBB1_4:
0xf: {  	_ =	sdelay $0x3  }
0x10: {  	[tilespmem:v0+s20+$0xFFFFFFA0 ss:$0x1] =	vst.idx.msk $0xffff, v6  }
0x11: {  	v56 =	vld.idx.msk [tilespmem:v1+s19+$0x30 ss:$0x1], $0xffff;
	[tilespmem:v0+s20+$0xFFFFFFB0 ss:$0x1] =	vst.idx.msk $0xffff, v4  }
0x12: {  	v57 =	vld.idx.msk [tilespmem:v1+s19+$0xFFFFFFC0 ss:$0x1], $0xffff;
	[tilespmem:v0+s20+$0xFFFFFFC0 ss:$0x1] =	vst.idx.msk $0xffff, v2  }
0x13: {  	v58 =	vld.idx.msk [tilespmem:v1+s19+$0xFFFFFFD0 ss:$0x1], $0xffff;
	[tilespmem:v0+s20+$0xFFFFFFD0 ss:$0x1] =	vst.idx.msk $0xffff, v3  }
0x14: {  	v59 =	vld.idx.msk [tilespmem:v1+s19+$0xFFFFFFE0 ss:$0x1], $0xffff;
	[tilespmem:v0+s20+$0xFFFFFFE0 ss:$0x1] =	vst.idx.msk $0xffff, v5  }
0x15: {  	v60 =	vld.idx.msk [tilespmem:v1+s19+$0xFFFFFFF0 ss:$0x1], $0xffff;
	[tilespmem:v0+s20+$0xFFFFFFF0 ss:$0x1] =	vst.idx.msk $0xffff, v7  }
0x16: {  	v61 =	vld.idx.msk [tilespmem:v1+s19+$0x0 ss:$0x1], $0xffff;
	[tilespmem:v0+s19+$0x0 ss:$0x1] =	vst.idx.msk $0xffff, v56  }
0x17: {  	v62 =	vld.idx.msk [tilespmem:v1+s19+$0x10 ss:$0x1], $0xffff;
	[tilespmem:v0+s19+$0xFFFFFF90 ss:$0x1] =	vst.idx.msk $0xffff, v57  }
0x18: {  	s17 =	sshll.u32 s17, $0x7;
	v63 =	vld.idx.msk [tilespmem:v1+s19+$0x20 ss:$0x1], $0xffff;
	s28 =	sand.u32 $0x78, s15;
	s21 =	sshll.u32 s15, $0x1;
	[tilespmem:v0+s19+$0xFFFFFFA0 ss:$0x1] =	vst.idx.msk $0xffff, v58  }
0x19: {  	s16 =	sshll.u32 s16, $0x9;
	s30 =	sshrl.u32 s15, $0x2;
	s17 =	sand.u32 $0x80, s17;
	[tilespmem:v0+s19+$0xFFFFFFB0 ss:$0x1] =	vst.idx.msk $0xffff, v59  }
0x1a: {  	s31 =	sand.u32 $0x7, s15;
	s29 =	sand.u32 $0x700, s21;
	s17 =	sor.u32 s17, s28;
	[tilespmem:v0+s19+$0xFFFFFFC0 ss:$0x1] =	vst.idx.msk $0xffff, v60  }
0x1b: {  	s20 =	sand.u32 $0x100, s30;
	s16 =	sadd.s32 s5, s16;
	s17 =	sor.u32 s29, s17;
	[tilespmem:v0+s19+$0xFFFFFFD0 ss:$0x1] =	vst.idx.msk $0xffff, v61  }
0x1c: {  	s15 =	sshll.u32 s31, $0x12;
	s16 =	sadd.s32 s20, s16;
	s17 =	sshrl.u32 s17, $0x3;
	[tilespmem:v0+s19+$0xFFFFFFE0 ss:$0x1] =	vst.idx.msk $0xffff, v62  }
0x1d: {  	s15 =	sor.u32 $0x80, s15;
	[tilespmem:v0+s19+$0xFFFFFFF0 ss:$0x1] =	vst.idx.msk $0xffff, v63;
	s16 =	sadd.s32 s17, s16  }
0x1e: {  	[hbm4b:s16+s15] =	stream.strided.scatter [tilespmem:s18], [sflag:$0x2], $0x4000, s9, s15, $0x38;
	[tilespmem:$0x10000] =	vst v63  }
.LBB1_5:
0x1f: {  	s18 =	sadd.s32 $0x80, s11  }
0x20: {  	s15 =	sadd.s32 $0x800, s12;
	s19 =	smov.u32 s12;
	p1 =	sgt.s32 s18, $0x7FF  }
0x21: {  	s19 =	smov.u32 @p1 s15  }
0x22: {  	s21 =	smov.u32 s13;
	s15 =	sadd.s32 $0x2, s13;
	p2 =	sgt.s32 s19, $0x7FF  }
0x23: {  	s21 =	smov.u32 @p2 s15  }
0x24: {  	s18 =	simm.s32 @p1 $0x0;
	p1 =	sgt.s32 s21, $0x1  }
0x25: {  	p0 =	slt.u32 s14, $0x2;
	s21 =	smov.u32 @p1 s2;
	p1 =	sne.s32 s14, s8  }
.Ltmp1:
0x26: {  	s20 =	simm.s32 @!p0 $0x2;
	(pc) =	sbr.rel @!p1 .LBB1_6-.Ltmp1, $4  }
0x27: {  	s16 =	smov.u32 s12;
	s17 =	smov.u32 s13;
	_ =	swait.ge @!p0 [sflag:s20], $0x4000  }
0x28: {  	s10 =	sadd.s32 $0x4000, s10;
	[sflag:s20] =	ssyncset.done @!p0 $0x0;
	s19 =	smov.u32 @p2 s1  }
0x29: {  	s15 =	smov.u32 s11;
	[sflag:s20] =	ssyncadd.s32 @!p0 $0xFFFFC000;
	s11 =	smov.u32 s18  }
0x2a: {  	s12 =	smov.u32 s19;
	s14 =	sadd.s32 $0x1, s14;
	s13 =	smov.u32 s21  }
.LBB1_1:
0x2b: {  	p0 =	sge.u32 s14, s7;
	s31 =	sadd.s32 $0xFFFFFFFF, s14  }
0x2c: {  	s18 =	sxor.u32 @!p0 $0xFFFFFFFF, s14;
	s19 =	sand.u32 @!p0 $0x78, s11;
	s20 =	sshll.u32 @!p0 s12, $0xB  }
0x2d: {  	s21 =	sshll.u32 @!p0 s12, $0x7;
	s22 =	sshll.u32 @!p0 s11, $0x3;
	s18 =	sshll.u32 @!p0 s18, $0xE  }
0x2e: {  	s20 =	sand.u32 @!p0 $0x3FC000, s20;
	s21 =	sand.u32 @!p0 $0x380, s21;
	s18 =	sand.u32 @!p0 $0x4000, s18  }
0x2f: {  	s20 =	sadd.s32 @!p0 s20, s22;
	s22 =	sand.u32 @!p0 $0x400, s22;
	s19 =	sor.u32 @!p0 s21, s19  }
0x30: {  	s21 =	sshll.u32 @!p0 s13, $0x13;
	s19 =	sor.u32 @!p0 s22, s19;
	s20 =	sshrl.u32 @!p0 s20, $0x3  }
0x31: {  	s21 =	sadd.s32 @!p0 s3, s21;
	s22 =	sand.u32 @!p0 $0x7, s11;
	s20 =	sand.u32 @!p0 $0x7FF00, s20  }
0x32: {  	s19 =	sshrl.u32 @!p0 s19, $0x3;
	s20 =	sadd.s32 @!p0 s20, s21;
	s21 =	sshll.u32 @!p0 s22, $0x12  }
0x33: {  	s19 =	sadd.s32 @!p0 s19, s20;
	s20 =	sor.u32 @!p0 $0x400, s21;
	s21 =	simm.s32 @!p0 $0x4000  }
0x34: {  	[tilespmem:s18], [sflag:$0x1] =	stream.strided.gather @!p0 [hbm4b:s19+s20], $0x4000, s21, s20, $0x38;
	[tilespmem:$0x10000] =	vst v63  }
0x35: {  	p0 =	sge.u32 s31, s7  }
.Ltmp2:
0x36: {  	_ = 	snop;
	(pc) =	sbr.rel @p0 .LBB1_5-.Ltmp2, $1  }
0x37: {  	_ =	sdelay $0x3  }
0x38: {  	s18 =	sand.u32 $0x4000, s10  }
0x39: {  	s19 =	sor.u32 $0x40, s18  }
0x3a: {  	v1 =	vmov s19;
	_ =	sdelay $0x1  }
0x3b: {  	_ =	swait.ge [sflag:s6], $0x4000  }
0x3c: {  	[sflag:s6] =	ssyncset.done $0x0  }
0x3d: {  	s20 =	simm.s32 $0x0;
	[sflag:s6] =	ssyncadd.s32 $0xFFFFC000  }
0x3e: {  	s18 =	sor.u32 $0x8070, s18;
	v7 =	vld.idx.msk [tilespmem:v1+s20+$0x30 ss:$0x1], $0xffff  }
0x3f: {  	v0 =	vmov s18;
	v8 =	vld.idx.msk [tilespmem:v1+s20+$0xFFFFFFC0 ss:$0x1], $0xffff  }
0x40: {  	v6 =	vld.idx.msk [tilespmem:v1+s20+$0xFFFFFFD0 ss:$0x1], $0xffff  }
0x41: {  	v4 =	vld.idx.msk [tilespmem:v1+s20+$0xFFFFFFE0 ss:$0x1], $0xffff  }
0x42: {  	v2 =	vld.idx.msk [tilespmem:v1+s20+$0xFFFFFFF0 ss:$0x1], $0xffff  }
0x43: {  	s31 =	sshll.u32 s14, $0xE;
	v3 =	vld.idx.msk [tilespmem:v1+s20+$0x0 ss:$0x1], $0xffff  }
0x44: {  	s18 =	sand.u32 $0x4000, s31;
	v5 =	vld.idx.msk [tilespmem:v1+s20+$0x10 ss:$0x1], $0xffff;
	[tilespmem:v0+s20+$0x0 ss:$0x1] =	vst.idx.msk $0xffff, v7  }
0x45: {  	s21 =	simm.s32 $0x400;
	s19 =	simm.s32 $0x80;
	s18 =	sor.u32 $0x8000, s18;
	[tilespmem:v0+s20+$0xFFFFFF90 ss:$0x1] =	vst.idx.msk $0xffff, v8;
	v7 =	vld.idx.msk [tilespmem:v1+s20+$0x20 ss:$0x1], $0xffff  }
.LBB1_3:
0x46: {  	p0 =	sne.s32 s21, $0xFE00;
	v8 =	vld.idx.msk [tilespmem:v1+s19+$0x30 ss:$0x1], $0xffff;
	[tilespmem:v0+s20+$0xFFFFFFA0 ss:$0x1] =	vst.idx.msk $0xffff, v6  }
0x47: {  	v9 =	vld.idx.msk [tilespmem:v1+s19+$0xFFFFFFC0 ss:$0x1], $0xffff;
	[tilespmem:v0+s20+$0xFFFFFFB0 ss:$0x1] =	vst.idx.msk $0xffff, v4  }
0x48: {  	v6 =	vld.idx.msk [tilespmem:v1+s19+$0xFFFFFFD0 ss:$0x1], $0xffff;
	[tilespmem:v0+s20+$0xFFFFFFC0 ss:$0x1] =	vst.idx.msk $0xffff, v2  }
.Ltmp3:
0x49: {  	v4 =	vld.idx.msk [tilespmem:v1+s19+$0xFFFFFFE0 ss:$0x1], $0xffff;
	[tilespmem:v0+s20+$0xFFFFFFD0 ss:$0x1] =	vst.idx.msk $0xffff, v3;
	(pc) =	sbr.rel @p0 .LBB1_3-.Ltmp3, $4  }
0x4a: {  	v2 =	vld.idx.msk [tilespmem:v1+s19+$0xFFFFFFF0 ss:$0x1], $0xffff;
	[tilespmem:v0+s20+$0xFFFFFFE0 ss:$0x1] =	vst.idx.msk $0xffff, v5  }
0x4b: {  	v3 =	vld.idx.msk [tilespmem:v1+s19+$0x0 ss:$0x1], $0xffff;
	[tilespmem:v0+s20+$0xFFFFFFF0 ss:$0x1] =	vst.idx.msk $0xffff, v7;
	s20 =	smov.u32 s19  }
0x4c: {  	v5 =	vld.idx.msk [tilespmem:v1+s20+$0x10 ss:$0x1], $0xffff;
	[tilespmem:v0+s20+$0x0 ss:$0x1] =	vst.idx.msk $0xffff, v8  }
0x4d: {  	s19 =	sshra.s32 s21, $0x2;
	s21 =	sadd.s32 $0x200, s21;
	[tilespmem:v0+s20+$0xFFFFFF90 ss:$0x1] =	vst.idx.msk $0xffff, v9;
	v7 =	vld.idx.msk [tilespmem:v1+s20+$0x20 ss:$0x1], $0xffff  }
.Ltmp4:
0x4e: {  	_ = 	snop;
	(pc) =	sbr.rel .LBB1_4-.Ltmp4, $1  }
0x4f: {  	_ =	sdelay $0x3  }
.LBB1_6:
0x50: {  	_ =	sfence.sel $0x180000  }
0x51: {  	s1 =	simm.s32 $0x1;
	[bflag:$0x0] =	sbarrier.arrive $0xFFFF  }
0x52: {  	s31 =	simm.s32 $0x2;
	[sflag:s1] =	ssyncpa.u1 $0x1  }
0x53: {  	[sflag:s31] =	ssyncpa.u1 $0x1  }
0x54: {  	p0 =	sne.s32 s0, $0x0;
	_ =	strace $0x90000047  }
0x55: {  	s0 =	sadd.s32 @!p0 $0x100000, s4;
	[bflag:$0x2] =	sbarrier.arrive $0xFFFF  }
0x56: {  	[sflag:s0] =	ssyncadd.tile.s32 @!p0 $0x1;
	_ =	shalt  }
.Lfunc_end1:
_tile_overlayer_lowered:
.L_overlay_start_2:
0x57: {  	(tag) =	ssettag $0x2  }
0x58: {  	s0 =	rddreg [dreg:$0x0];
	s2 =	stileid.u32  }
0x59: {  	s1 =	rddreg [dreg:$0x1];
	p0 =	sne.s32 s2, $0x0  }
0x5a: {  	s3 =	rddreg [dreg:$0x2];
	[bflag:$0x3] =	sbarrier.arrive $0xFFFF;
	s2 =	simm.s32 @!p0 $0x1C01  }
0x5b: {  	[timem:s3], [sflag:s2] =	dma.local @!p0 [hbm:s0], s1  }
0x5c: {  	s0 =	simm.s32 @!p0 $0x1  }
0x5d: {  	_ =	swait.ge @!p0 [sflag:s0], s1  }
0x5e: {  	s1 =	ssub.s32 @!p0 $0x0, s1;
	[sflag:s0] =	ssyncset.done @!p0 $0x0  }
0x5f: {  	[sflag:s0] =	ssyncadd.s32 @!p0 s1  }
0x60: {  	[bflag:$0x3] =	sbarrier.arrive $0xFFFF  }
0x61: {  	_ =	shalt  }

// kernel: sparse-core-data-format-call.cloned.1.call-start
scs
called_computation_lowered:
.L_overlay_start_0:
0x0: {  	s2 =	sld [smem:$0x3FD9]  }
0x1: {  	s3 =	sld [smem:$0x3FFE];
	_ =	sdelay $0x1  }
0x2: {  	s1 =	srdreg.scid  }
0x3: {  	s0 =	sand.u32 $0x1, s1  }
0x4: {  	s18 =	sshll.u32 s0, $0xA;
	s2 =	sadd.s32 s3, s2  }
0x5: {  	s2 =	sadd.s32 s2, s18  }
0x6: {  	[smem:$0x3FC6] =	sst s2  }
0x7: {  	_ = 	snop  }
0x8: {  	s2 =	sld [smem:$0x3FD0];
	(tm) =	ssettm $0x1  }
0x9: {  	s19 =	sld [smem:$0x3FFB];
	_ =	sdelay $0x3  }
0xa: {  	_ =	strace s19  }
0xb: {  	s3 =	sld [smem:$0x3FFC];
	_ =	sdelay $0x3  }
0xc: {  	_ =	strace s3  }
0xd: {  	s3 =	sld [smem:$0x3FFD];
	_ =	sdelay $0x3  }
0xe: {  	_ =	strace s3  }
0xf: {  	_ =	strace $0x8FFFFFFF  }
0x10: {  	s20 =	sld [smem:$0x3FDB];
	_ =	sdelay $0x1  }
0x11: {  	s4 =	simm.s32 $_scs_section_size  }
0x12: {  	s5 =	simm.s32 $_size__tile_overlayer_lowered;
	s6 =	simm.s32 $_tile_overlayer_lowered  }
0x13: {  	s23 =	simm.s32 $0x1BFF;
	s22 =	sshll.u32 s6, $0x1;
	s3 =	sadd.s32 s4, s20  }
0x14: {  	s7 =	simm.s32 $0x0;
	s21 =	sshll.u32 s5, $0x1;
	s5 =	sadd.s32 s22, s3  }
0x15: {  	[timem:s7], [sflag:s23] =	dma.local [hbm:s5], s21  }
0x16: {  	_ =	swait.ge [sflag:s23], s21  }
0x17: {  	s4 =	ssub.s32 $0x0, s21;
	[sflag:s23] =	ssyncset.done $0x0  }
0x18: {  	[sflag:s23] =	ssyncadd.s32 s4;
	_ =	sdelay $0x1  }
0x19: {  	s24 =	simm.s32 $0x1B8B  }
0x1a: {  	_ =	swait.ge [sflag:s24], $0x1  }
0x1b: {  	[sflag:s24] =	ssyncset.done $0x0  }
0x1c: {  	s26 =	simm.s32 $0x1B8E;
	s25 =	sld [smem:$0x3FFE];
	[sflag:s24] =	ssyncadd.s32 $0xFFFFFFFF  }
0x1d: {  	s27 =	simm.s32 $execute0_lowered;
	[smem:$0x3FD2] =	sst s26  }
0x1e: {  	s5 =	sshll.u32 s27, $0x1;
	_ =	strace $0x8000004C;
	[dreg:$0x1] =	wrdreg $0xFFFFFFFF  }
0x1f: {  	s28 =	simm.s32 $_size_execute0_lowered;
	s3 =	sadd.s32 s3, s5;
	[dreg:$0x0] =	wrdreg $0x0  }
0x20: {  	s5 =	sshll.u32 s28, $0x1;
	[dreg:$0x2] =	wrdreg s3  }
0x21: {  	[dreg:$0x3] =	wrdreg s5  }
0x22: {  	[dreg:$0x4] =	wrdreg $0xC0  }
0x23: {  	_ =	task [dreg:s7], $0x5FFFF  }
0x24: {  	[dreg:$0x1] =	wrdreg $0xFFFFFFFF  }
0x25: {  	[dreg:$0x0] =	wrdreg $0x60  }
0x26: {  	[dreg:$0x2] =	wrdreg s25  }
0x27: {  	[dreg:$0x3] =	wrdreg s2  }
0x28: {  	[dreg:$0x4] =	wrdreg $0x9  }
0x29: {  	_ =	task.clear_ibuf [dreg:s7], $0x5FFFF;
	_ =	strace $0x9000004C  }
0x2a: {  	s29 =	simm.s32 $0x9;
	_ =	strace $0x8000004E  }
0x2b: {  	_ =	swait.ge [sflag:s29], $0x1  }
0x2c: {  	[sflag:s29] =	ssyncadd.s32 $0xFFFFFFFF  }
0x2d: {  	_ =	strace $0x9000004E  }
0x2e: {  	_ =	sfence  }
0x2f: {  	s30 =	sld [smem:$0x0];
	_ =	sdelay $0x2  }
0x30: {  	s31 =	sshll.u32 s1, $0xD;
	s1 =	sshrl.u32 s1, $0x2  }
0x31: {  	s3 =	sand.u32 $0x4000, s31;
	s1 =	sadd.s32 s1, s30  }
0x32: {  	s0 =	sor.u32 s3, s0;
	s1 =	sshll.u32 s1, $0x11  }
0x33: {  	s0 =	sor.u32 s1, s0  }
0x34: {  	s0 =	sadd.s32 $0x8F2B, s0  }
0x35: {  	[sflag:s0] =	ssyncadd.remote.s32 $0x1  }
0x36: {  	_ =	sfence.sel $0xFFFF  }
0x37: {  	[dreg:$0x0] =	wrdreg $0xFFFFFFFF;
	(pc) =	sbr.abs _section_cstart, $3  }
0x38: {  	[dreg:$0x1] =	wrdreg $0xFFFFFFFF  }
0x39: {  	_ =	task.clear_ibuf [dreg:s7], $0x2FFFF;
	_ =	strace $0x9FFFFFFF  }
0x3a: {  	(tm) =	ssettm $0x7FFFFFFF  }
0x3b: {  	_ =	shalt  }
tec
execute0_lowered:
.L_overlay_start_1:
0x0: {  	(tag) =	ssettag $0x1  }
0x1: {  	s7 =	stileid.u32;
	s28 =	rddreg [dreg:$0x0]  }
0x2: {  	s0 =	srdreg.scid;
	s3 =	rddreg [dreg:$0x1]  }
0x3: {  	s6 =	simm.s32 $0x1;
	_ =	strace $0x8000004D;
	s5 =	simm.s32 $0x1  }
0x4: {  	s31 =	simm.s32 $0x2;
	s1 =	sshll.u32 s7, $0x1;
	s0 =	sshll.u32 s0, $0x5  }
0x5: {  	s16 =	simm.s32 $0x0;
	s9 =	simm.s32 $0x400000;
	s0 =	sor.u32 s1, s0  }
0x6: {  	s10 =	simm.s32 $0x0;
	s17 =	simm.s32 $0x0;
	s2 =	sand.u32 $0x38, s0  }
0x7: {  	s19 =	simm.s32 $0x0;
	s18 =	simm.s32 $0x0;
	s29 =	ssub.s32 $0x800, s2  }
0x8: {  	s11 =	simm.s32 $0x0;
	s12 =	simm.s32 $0x0;
	s4 =	sand.u32 $0x38, s29  }
.Ltmp0:
0x9: {  	s15 =	simm.s32 $0x0;
	p0 =	sne.s32 s4, $0x0;
	(pc) =	sbr.rel .LBB1_1-.Ltmp0, $4  }
0xa: {  	s25 =	simm.s32 $0x0;
	s1 =	sshrl.u32 s29, $0x6;
	s6 =	simm.s32 @!p0 $0x0  }
0xb: {  	[sflag:s5] =	ssyncpa.u1 $0x0;
	s7 =	sand.u32 $0x3, s7;
	s30 =	sadd.s32 s6, s1  }
0xc: {  	[sflag:s31] =	ssyncpa.u1 $0x0;
	s14 =	smov.u32 s7;
	s6 =	sshll.u32 s30, $0x3  }
0xd: {  	s13 =	smov.u32 s2;
	s4 =	sadd.s32 $0xE00, s28;
	s8 =	sor.u32 $0x1, s6  }
.LBB1_7:
0xe: {  	s0 =	sadd.s32 $0x100, s11  }
0xf: {  	s1 =	sadd.s32 $0x8, s12;
	s20 =	smov.u32 s12;
	p1 =	sgt.s32 s0, $0x7FF  }
0x10: {  	s20 =	smov.u32 @p1 s1  }
0x11: {  	s21 =	smov.u32 s13;
	s1 =	sadd.s32 $0x40, s13;
	p2 =	sgt.s32 s20, $0x7  }
0x12: {  	s21 =	smov.u32 @p2 s1  }
0x13: {  	s22 =	smov.u32 s14;
	s1 =	sadd.s32 $0x4, s14;
	p3 =	sgt.s32 s21, $0x7FF  }
0x14: {  	p0 =	slt.u32 s15, $0x2;
	s22 =	smov.u32 @p3 s1  }
0x15: {  	s16 =	smov.u32 s11;
	s0 =	simm.s32 @p1 $0x0;
	p1 =	sgt.s32 s22, $0x3  }
0x16: {  	s17 =	smov.u32 s12;
	s22 =	smov.u32 @p1 s7;
	p1 =	sne.s32 s15, s8  }
.Ltmp1:
0x17: {  	s19 =	smov.u32 s13;
	s18 =	smov.u32 s14;
	(pc) =	sbr.rel @!p1 .LBB1_8-.Ltmp1, $4  }
0x18: {  	s10 =	sadd.s32 $0x4000, s10;
	s11 =	smov.u32 s0;
	s1 =	simm.s32 @!p0 $0x2  }
0x19: {  	s20 =	simm.s32 @p2 $0x0;
	s21 =	smov.u32 @p3 s2;
	_ =	swait.ge @!p0 [sflag:s1], $0x4000  }
0x1a: {  	s12 =	smov.u32 s20;
	s13 =	smov.u32 s21;
	[sflag:s1] =	ssyncset.done @!p0 $0x0  }
0x1b: {  	s15 =	sadd.s32 $0x1, s15;
	[sflag:s1] =	ssyncadd.s32 @!p0 $0xFFFFC000;
	s14 =	smov.u32 s22  }
.LBB1_1:
0x1c: {  	p0 =	sge.u32 s15, s6  }
0x1d: {  	s31 =	sadd.s32 $0xFFFFFFFF, s15;
	s0 =	sxor.u32 @!p0 $0xFFFFFFFF, s15  }
0x1e: {  	s1 =	sshll.u32 @!p0 s12, $0x7;
	s20 =	sand.u32 @!p0 $0x78, s11;
	s21 =	sshll.u32 @!p0 s11, $0x3  }
0x1f: {  	s22 =	sand.u32 @!p0 $0x700, s11;
	s0 =	sshll.u32 @!p0 s0, $0xE;
	s1 =	sand.u32 @!p0 $0x380, s1  }
0x20: {  	s21 =	sand.u32 @!p0 $0x400, s21;
	s1 =	sor.u32 @!p0 s1, s20;
	s20 =	sshll.u32 @!p0 s14, $0x16  }
0x21: {  	s1 =	sor.u32 @!p0 s21, s1;
	s21 =	sshll.u32 @!p0 s13, $0xB;
	s20 =	sadd.s32 @!p0 s4, s20  }
0x22: {  	s0 =	sand.u32 @!p0 $0x4000, s0;
	s20 =	sadd.s32 @!p0 s21, s20;
	s21 =	sand.u32 @!p0 $0x7, s11  }
0x23: {  	s1 =	sshrl.u32 @!p0 s1, $0x3;
	s20 =	sadd.s32 @!p0 s22, s20;
	s21 =	sshll.u32 @!p0 s21, $0x12  }
0x24: {  	s1 =	sadd.s32 @!p0 s1, s20;
	s20 =	sor.u32 @!p0 $0x800, s21;
	s21 =	simm.s32 @!p0 $0x4000  }
0x25: {  	[tilespmem:s0], [sflag:$0x1] =	stream.strided.gather @!p0 [hbm4b:s1+s20], $0x4000, s21, s20, $0x38;
	[tilespmem:$0x10000] =	vst v63  }
0x26: {  	p0 =	sge.u32 s31, s6  }
.Ltmp2:
0x27: {  	_ = 	snop;
	(pc) =	sbr.rel @p0 .LBB1_7-.Ltmp2, $1  }
0x28: {  	_ =	sdelay $0x3  }
0x29: {  	s0 =	sshll.u32 s10, $0x2;
	_ =	swait.ge [sflag:s5], $0x4000;
	s1 =	sshll.u32 s15, $0xE  }
0x2a: {  	p0 =	por $0x0, $0x0;
	s26 =	simm.s32 $0x0;
	s27 =	simm.s32 $0x0  }
0x2b: {  	s0 =	sand.u32 $0x10000, s0;
	[sflag:s5] =	ssyncset.done $0x0;
	s23 =	sand.u32 $0x4000, s1  }
0x2c: {  	s0 =	sshrl.u32 s0, $0x2;
	[sflag:s5] =	ssyncadd.s32 $0xFFFFC000;
	s20 =	sor.u32 $0x8000, s23  }
0x2d: {  	s21 =	sor.u32 $0x40, s0;
	s22 =	sor.u32 $0x8410, s0;
	s24 =	sadd.s32 $0x8400, s0  }
.LBB1_3:
0x2e: {  	v1 =	vld [tilespmem:s21+$0xFFFFFFD0]  }
0x2f: {  	v2 =	vld [tilespmem:s21+$0x430]  }
0x30: {  	s0 =	sshll.u32 s27, $0xB;
	v4 =	vld [tilespmem:s21+$0xFFFFFFE0]  }
0x31: {  	v7 =	vld [tilespmem:s21+$0xFFFFFFF0];
	v0 =	vmov s0  }
0x32: {  	v8 =	vld [tilespmem:s21+$0x0]  }
0x33: {  	v9 =	vld [tilespmem:s21+$0x10];
	s0 =	sand.u32 $0x300, s25  }
0x34: {  	s1 =	sand.u32 $0x80, s25;
	v10 =	vld [tilespmem:s21+$0x20];
	s0 =	sadd.s32 s0, s23  }
0x35: {  	v11 =	vld [tilespmem:s21+$0x30];
	s0 =	sadd.s32 s1, s0;
	s1 =	simm.s32 $0x1;
	[tilespmem:s22+$0x60] =	vst v2  }
0x36: {  	s1 =	simm.s32 @!p0 $0x0;
	[tilespmem:s22+$0xFFFFFC00] =	vst v1;
	v3 =	vld.idx.msk [tilespmem:v0+s0+$0x400 ss:$0x1], $0xffff;
	s0 =	sshll.u32 s26, $0x2  }
0x37: {  	v6 =	vld [tilespmem:s21+$0x3D0];
	s1 =	sshll.u32 s1, $0x9;
	[tilespmem:s22+$0xFFFFFC10] =	vst v4;
	s0 =	sand.u32 $0xFFFFFC00, s0  }
0x38: {  	v5 =	vld [tilespmem:s21+$0x3E0];
	[tilespmem:s22+$0xFFFFFC20] =	vst v7;
	s0 =	sor.u32 s1, s0  }
0x39: {  	[tilespmem:s22+$0xFFFFFC30] =	vst v8;
	v4 =	vld [tilespmem:s21+$0x400];
	s0 =	sshrl.u32 s0, $0x2  }
0x3a: {  	[tilespmem:s22+$0xFFFFFC40] =	vst v9;
	v1 =	vld [tilespmem:s21+$0x410];
	s28 =	sadd.s32 s0, s24  }
0x3b: {  	[tilespmem:s28+$0x0] =	vst v3;
	v3 =	vld [tilespmem:s21+$0x3F0]  }
0x3c: {  	s31 =	simm.s32 $0x100;
	[tilespmem:s22+$0xFFFFFC50] =	vst v10;
	v2 =	vld [tilespmem:s21+$0x420];
	s1 =	simm.s32 $0x80  }
0x3d: {  	s29 =	sadd.s32 $0x80, s21;
	s30 =	smov.u32 s22;
	v7 =	vld [tilespmem:s21+$0xFFFFFFC0];
	[tilespmem:s22+$0xFFFFFC60] =	vst v11;
	s0 =	sand.u32 $0x300, s1  }
.LBB1_4:
0x3e: {  	p1 =	sne.s32 s31, $0x380;
	v8 =	vld [tilespmem:s29+$0xFFFFFFD0];
	s1 =	sand.u32 $0x80, s1;
	s0 =	sadd.s32 s0, s23;
	[tilespmem:s30+$0x0] =	vst v6  }
0x3f: {  	s0 =	sadd.s32 s1, s0;
	v6 =	vld [tilespmem:s29+$0x430];
	[tilespmem:s30+$0x10] =	vst v5;
	s1 =	smov.u32 s31  }
0x40: {  	v5 =	vld.idx.msk [tilespmem:v0+s0+$0x400 ss:$0x1], $0xffff;
	[tilespmem:s30+$0x20] =	vst v3  }
0x41: {  	v3 =	vld [tilespmem:s29+$0xFFFFFFE0];
	[tilespmem:s30+$0x30] =	vst v4  }
0x42: {  	v4 =	vld [tilespmem:s29+$0xFFFFFFF0];
	[tilespmem:s30+$0xFFFFFBF0] =	vst v7  }
0x43: {  	v7 =	vld [tilespmem:s29+$0x0];
	[tilespmem:s30+$0x40] =	vst v1  }
0x44: {  	v1 =	vld [tilespmem:s29+$0x10];
	[tilespmem:s30+$0x50] =	vst v2;
	s30 =	sadd.s32 $0x800, s30  }
0x45: {  	s28 =	sadd.s32 $0x800, s28;
	v2 =	vld [tilespmem:s29+$0x20];
	[tilespmem:s30+$0x60] =	vst v6  }
0x46: {  	v9 =	vld [tilespmem:s29+$0x30];
	[tilespmem:s28+$0x0] =	vst v5  }
0x47: {  	[tilespmem:s30+$0xFFFFFC00] =	vst v8;
	v6 =	vld [tilespmem:s29+$0x3D0]  }
0x48: {  	[tilespmem:s30+$0xFFFFFC10] =	vst v3;
	v5 =	vld [tilespmem:s29+$0x3E0]  }
.Ltmp3:
0x49: {  	[tilespmem:s30+$0xFFFFFC20] =	vst v4;
	v3 =	vld [tilespmem:s29+$0x3F0];
	(pc) =	sbr.rel @p1 .LBB1_4-.Ltmp3, $4  }
0x4a: {  	[tilespmem:s30+$0xFFFFFC30] =	vst v7;
	v4 =	vld [tilespmem:s29+$0x400]  }
0x4b: {  	[tilespmem:s30+$0xFFFFFC40] =	vst v1;
	v1 =	vld [tilespmem:s29+$0x410]  }
0x4c: {  	[tilespmem:s30+$0xFFFFFC50] =	vst v2;
	v2 =	vld [tilespmem:s29+$0x420]  }
0x4d: {  	s31 =	sadd.s32 $0x80, s31;
	s0 =	sand.u32 $0x300, s1;
	v7 =	vld [tilespmem:s29+$0xFFFFFFC0];
	[tilespmem:s30+$0xFFFFFC60] =	vst v9;
	s29 =	sadd.s32 $0x80, s29  }
0x4e: {  	[tilespmem:s30+$0x0] =	vst v6  }
0x4f: {  	[tilespmem:s30+$0x10] =	vst v5  }
0x50: {  	v49 =	vld [tilespmem:s29+$0x430];
	[tilespmem:s30+$0x20] =	vst v3  }
0x51: {  	v50 =	vld [tilespmem:s29+$0xFFFFFFD0];
	[tilespmem:s30+$0x30] =	vst v4  }
0x52: {  	v51 =	vld [tilespmem:s29+$0xFFFFFFE0];
	[tilespmem:s30+$0x40] =	vst v1  }
0x53: {  	v52 =	vld [tilespmem:s29+$0xFFFFFFF0];
	[tilespmem:s30+$0x50] =	vst v2  }
0x54: {  	v53 =	vld [tilespmem:s29+$0x0];
	[tilespmem:s30+$0xFFFFFBF0] =	vst v7;
	s30 =	sadd.s32 $0x800, s30  }
0x55: {  	v54 =	vld [tilespmem:s29+$0x10];
	[tilespmem:s30+$0x60] =	vst v49  }
0x56: {  	v55 =	vld [tilespmem:s29+$0x20];
	[tilespmem:s30+$0xFFFFFC00] =	vst v50  }
0x57: {  	v56 =	vld [tilespmem:s29+$0x30];
	[tilespmem:s30+$0xFFFFFC10] =	vst v51  }
0x58: {  	v57 =	vld [tilespmem:s29+$0x3D0];
	[tilespmem:s30+$0xFFFFFC20] =	vst v52  }
0x59: {  	v58 =	vld [tilespmem:s29+$0x3E0];
	[tilespmem:s30+$0xFFFFFC30] =	vst v53  }
0x5a: {  	v59 =	vld [tilespmem:s29+$0x3F0];
	[tilespmem:s30+$0xFFFFFC40] =	vst v54  }
0x5b: {  	v60 =	vld [tilespmem:s29+$0x400];
	[tilespmem:s30+$0xFFFFFC50] =	vst v55  }
0x5c: {  	v61 =	vld [tilespmem:s29+$0xFFFFFFC0];
	[tilespmem:s30+$0xFFFFFC60] =	vst v56  }
0x5d: {  	s1 =	sand.u32 $0x80, s1;
	s0 =	sadd.s32 s0, s23;
	v62 =	vld [tilespmem:s29+$0x410];
	[tilespmem:s30+$0x0] =	vst v57  }
0x5e: {  	v63 =	vld [tilespmem:s29+$0x420];
	s27 =	sadd.s32 $0x1, s27;
	s0 =	sadd.s32 s1, s0;
	[tilespmem:s30+$0x10] =	vst v58  }
0x5f: {  	p1 =	sne.s32 s27, $0x8;
	v0 =	vld.idx.msk [tilespmem:v0+s0+$0x400 ss:$0x1], $0xffff;
	[tilespmem:s30+$0x20] =	vst v59  }
.Ltmp4:
0x60: {  	[tilespmem:s30+$0x30] =	vst v60;
	(pc) =	sbr.rel @p1 .LBB1_3-.Ltmp4, $4  }
0x61: {  	[tilespmem:s30+$0xFFFFFBF0] =	vst v61  }
0x62: {  	[tilespmem:s30+$0x40] =	vst v62  }
0x63: {  	s31 =	sadd.s32 $0x800, s28;
	s21 =	sadd.s32 $0x800, s21;
	[tilespmem:s30+$0x50] =	vst v63  }
0x64: {  	s26 =	sadd.s32 $0x80, s26;
	p0 =	por !p0, !p0;
	s22 =	sadd.s32 $0x80, s22;
	[tilespmem:s31+$0x0] =	vst v0  }
0x65: {  	s0 =	sand.u32 $0x78, s16;
	s1 =	sshll.u32 s19, $0x7;
	s26 =	sshll.u32 s19, $0xB  }
0x66: {  	s21 =	sshll.u32 s16, $0x3;
	s28 =	sshll.u32 s18, $0x16;
	s17 =	sshll.u32 s17, $0x13  }
0x67: {  	s30 =	sand.u32 $0x7, s16;
	s1 =	sand.u32 $0x380, s1;
	s19 =	sand.u32 $0x3FC000, s26  }
0x68: {  	s27 =	sand.u32 $0x400, s21;
	s0 =	sor.u32 s1, s0;
	s19 =	sadd.s32 s19, s21  }
.Ltmp5:
0x69: {  	s1 =	sadd.s32 s3, s28;
	s29 =	sshrl.u32 s19, $0x3;
	(pc) =	sbr.rel .LBB1_7-.Ltmp5, $4  }
0x6a: {  	s0 =	sor.u32 s27, s0;
	s1 =	sadd.s32 s17, s1;
	s18 =	sand.u32 $0x7FF00, s29  }
0x6b: {  	s16 =	sshll.u32 s30, $0x12;
	s0 =	sshrl.u32 s0, $0x3;
	s1 =	sadd.s32 s18, s1  }
0x6c: {  	s31 =	sor.u32 $0x800, s16;
	s0 =	sadd.s32 s0, s1  }
0x6d: {  	[hbm4b:s0+s31] =	stream.strided.scatter [tilespmem:s20], [sflag:$0x2], $0x4000, s9, s31, $0x38;
	[tilespmem:$0x10000] =	vst v63  }
.LBB1_8:
0x6e: {  	_ =	sfence.sel $0x180000  }
0x6f: {  	s0 =	simm.s32 $0x1;
	[bflag:$0x0] =	sbarrier.arrive $0xFFFF  }
0x70: {  	s30 =	simm.s32 $0x2;
	[sflag:s0] =	ssyncpa.u1 $0x1  }
0x71: {  	[sflag:s30] =	ssyncpa.u1 $0x1  }
0x72: {  	_ =	strace $0x9000004D  }
0x73: {  	s31 =	stileid.u32;
	[bflag:$0x2] =	sbarrier.arrive $0xFFFF  }
0x74: {  	p0 =	sne.s32 s31, $0x0;
	s0 =	rddreg [dreg:$0x2]  }
0x75: {  	s0 =	sadd.s32 @!p0 $0x100000, s0  }
0x76: {  	[sflag:s0] =	ssyncadd.tile.s32 @!p0 $0x1;
	_ =	shalt  }
.Lfunc_end1:
_tile_overlayer_lowered:
.L_overlay_start_2:
0x77: {  	(tag) =	ssettag $0x2  }
0x78: {  	s0 =	rddreg [dreg:$0x0];
	s2 =	stileid.u32  }
0x79: {  	s1 =	rddreg [dreg:$0x1];
	p0 =	sne.s32 s2, $0x0  }
0x7a: {  	s3 =	rddreg [dreg:$0x2];
	[bflag:$0x3] =	sbarrier.arrive $0xFFFF;
	s2 =	simm.s32 @!p0 $0x1C01  }
0x7b: {  	[timem:s3], [sflag:s2] =	dma.local @!p0 [hbm:s0], s1  }
0x7c: {  	s0 =	simm.s32 @!p0 $0x1  }
0x7d: {  	_ =	swait.ge @!p0 [sflag:s0], s1  }
0x7e: {  	s1 =	ssub.s32 @!p0 $0x0, s1;
	[sflag:s0] =	ssyncset.done @!p0 $0x0  }
0x7f: {  	[sflag:s0] =	ssyncadd.s32 @!p0 s1  }
0x80: {  	[bflag:$0x3] =	sbarrier.arrive $0xFFFF  }
0x81: {  	_ =	shalt  }

</sc_bundles>
